<compile_context>
chip_gen: v7x
topology: tpu7x:2x2x1
jax: 0.10.2.dev20260603
libtpu: 0.0.44.dev20260713+nightly
codegen_flags: <defaults>
</compile_context>

<pallas_src>
import functools

import jax
import jax.numpy as jnp
from jax import lax
from jax.experimental import pallas as pl
from jax.experimental.pallas import tpu as pltpu
from jax.experimental.pallas import tpu_sc as plsc

_NUM_EXPERTS = 8
_TOP_K = 2
_D_MODEL = 768
_N_TOKENS = 32768
_Z_LOSS_COEFF = 0.001
_AUX_LOSS_COEFF = 0.01

_NCHUNK = 2
_CN = _N_TOKENS // _NCHUNK

_TILE = 4096
_GRID = _CN // _TILE

_NC = 2
_NS = 16
_LANES = 16
_NW = _NC * _NS
_CH = _CN // _NW


def _matmul_body(x_ref, w_ref, lg_ref, z_ref, agg_ref, zacc, aggacc):
    step = pl.program_id(0)

    @pl.when(step == 0)
    def _init():
        zacc[...] = jnp.zeros_like(zacc)
        aggacc[...] = jnp.zeros_like(aggacc)

    logits = lax.dot_general(w_ref[...], x_ref[...], (((1,), (1,)), ((), ())),
                             preferred_element_type=jnp.float32)
    lg_ref[...] = logits

    m1 = jnp.max(logits, axis=0, keepdims=True)
    exps = jnp.exp(logits - m1)
    denom = jnp.sum(exps, axis=0, keepdims=True)
    lse = m1 + jnp.log(denom)
    zacc[...] += jnp.sum(lse * lse)
    aggacc[...] += jnp.sum(exps / denom, axis=1, keepdims=True)

    @pl.when(step == _GRID - 1)
    def _fini():
        z_ref[...] = zacc[...]
        agg_ref[...] = aggacc[...]


def _tc_matmul(x, W, chunk):
    return pl.pallas_call(
        _matmul_body,
        grid=(_GRID,),
        in_specs=[
            pl.BlockSpec((_TILE, _D_MODEL),
                         lambda i, c=chunk: (c * _GRID + i, 0)),
            pl.BlockSpec((_NUM_EXPERTS, _D_MODEL), lambda i: (0, 0)),
        ],
        out_specs=[
            pl.BlockSpec((_NUM_EXPERTS, _TILE), lambda i: (0, i)),
            pl.BlockSpec((1, 1), lambda i: (0, 0)),
            pl.BlockSpec((_NUM_EXPERTS, 1), lambda i: (0, 0)),
        ],
        out_shape=[
            jax.ShapeDtypeStruct((_NUM_EXPERTS, _CN), jnp.float32),
            jax.ShapeDtypeStruct((1, 1), jnp.float32),
            jax.ShapeDtypeStruct((_NUM_EXPERTS, 1), jnp.float32),
        ],
        scratch_shapes=[
            pltpu.VMEM((1, 1), jnp.float32),
            pltpu.VMEM((_NUM_EXPERTS, 1), jnp.float32),
        ],
    )(x, W)


_sc_mesh = plsc.VectorSubcoreMesh(core_axis_name="c", subcore_axis_name="s")


@functools.partial(
    pl.kernel,
    mesh=_sc_mesh,
    out_type=[
        jax.ShapeDtypeStruct((_TOP_K, _CN), jnp.float32),
        jax.ShapeDtypeStruct((_TOP_K, _CN), jnp.int32),
        jax.ShapeDtypeStruct((_NW, _NUM_EXPERTS * _LANES), jnp.float32),
    ],
    scratch_types=[
        pltpu.VMEM((_NUM_EXPERTS, _CH), jnp.float32),
        pltpu.VMEM((_TOP_K, _CH), jnp.float32),
        pltpu.VMEM((_TOP_K, _CH), jnp.int32),
        pltpu.VMEM((_NUM_EXPERTS * _LANES,), jnp.float32),
    ],
)
def _sc_route(lg_hbm, wts_hbm, idx_hbm, cnt_hbm, lg_v, w_v, i_v, cnt_v):
    wid = lax.axis_index("s") * _NC + lax.axis_index("c")
    base = wid * _CH
    pltpu.sync_copy(lg_hbm.at[:, pl.ds(base, _CH)], lg_v)

    zeros = jnp.zeros((_LANES,), jnp.float32)

    def body(i, cnt_acc):
        t = i * _LANES
        v = [lg_v[e, pl.ds(t, _LANES)] for e in range(_NUM_EXPERTS)]
        m1 = v[0]
        for e in range(1, _NUM_EXPERTS):
            m1 = jnp.maximum(m1, v[e])
        big = jnp.full((_LANES,), _NUM_EXPERTS, jnp.int32)
        i1 = big
        for e in range(_NUM_EXPERTS - 1, -1, -1):
            i1 = jnp.where(v[e] == m1, jnp.int32(e), i1)
        neg = jnp.float32(-3.0e38)
        m2 = jnp.where(i1 == 0, neg, v[0])
        for e in range(1, _NUM_EXPERTS):
            m2 = jnp.maximum(m2, jnp.where(i1 == e, neg, v[e]))
        i2 = big
        for e in range(_NUM_EXPERTS - 1, -1, -1):
            i2 = jnp.where(jnp.logical_and(v[e] == m2, i1 != e),
                           jnp.int32(e), i2)
        denom = jnp.exp(v[0] - m1)
        for e in range(1, _NUM_EXPERTS):
            denom = denom + jnp.exp(v[e] - m1)
        rden = 1.0 / denom
        w_v[0, pl.ds(t, _LANES)] = rden
        w_v[1, pl.ds(t, _LANES)] = jnp.exp(m2 - m1) * rden
        i_v[0, pl.ds(t, _LANES)] = i1
        i_v[1, pl.ds(t, _LANES)] = i2
        one = jnp.float32(1.0)
        zero = jnp.float32(0.0)
        new_acc = []
        for e in range(_NUM_EXPERTS):
            hits = (jnp.where(i1 == e, one, zero) +
                    jnp.where(i2 == e, one, zero))
            new_acc.append(cnt_acc[e] + hits)
        return tuple(new_acc)

    cnt_acc = lax.fori_loop(
        0, _CH // _LANES, body,
        tuple(zeros for _ in range(_NUM_EXPERTS)))

    for e in range(_NUM_EXPERTS):
        cnt_v[pl.ds(e * _LANES, _LANES)] = cnt_acc[e]

    pltpu.sync_copy(w_v, wts_hbm.at[:, pl.ds(base, _CH)])
    pltpu.sync_copy(i_v, idx_hbm.at[:, pl.ds(base, _CH)])
    pltpu.sync_copy(cnt_v, cnt_hbm.at[wid])


def _fin_body(cnt_a, cnt_b, agg_a, agg_b, z_a, z_b, z_ref, aux_ref):
    s = jnp.sum(cnt_a[...] + cnt_b[...], axis=0, keepdims=True)
    agg = agg_a[...] + agg_b[...]
    eol = lax.broadcasted_iota(jnp.int32, s.shape, 1) // _LANES
    acc = jnp.float32(0.0)
    for e in range(_NUM_EXPERTS):
        acc += agg[e, 0] * jnp.sum(jnp.where(eol == e, s, 0.0))
    aux_scale = _NUM_EXPERTS * _AUX_LOSS_COEFF / (
        float(_N_TOKENS) * float(_N_TOKENS) * _TOP_K)
    aux_ref[...] = jnp.full((1, 1), acc * aux_scale, jnp.float32)
    z_ref[...] = (z_a[...] + z_b[...]) * (_Z_LOSS_COEFF / _N_TOKENS)


def _tc_fin(cnt_a, cnt_b, agg_a, agg_b, z_a, z_b):
    return pl.pallas_call(
        _fin_body,
        out_shape=[
            jax.ShapeDtypeStruct((1, 1), jnp.float32),
            jax.ShapeDtypeStruct((1, 1), jnp.float32),
        ],
    )(cnt_a, cnt_b, agg_a, agg_b, z_a, z_b)


def kernel(x, W):
    lg_a, z_a, agg_a = _tc_matmul(x, W, 0)
    lg_b, z_b, agg_b = _tc_matmul(x, W, 1)
    wts_a, idx_a, cnt_a = _sc_route(lg_a)
    wts_b, idx_b, cnt_b = _sc_route(lg_b)
    z, aux = _tc_fin(cnt_a, cnt_b, agg_a, agg_b, z_a, z_b)
    wts = jnp.concatenate([wts_a, wts_b], axis=1).T
    idx = jnp.concatenate([idx_a, idx_b], axis=1).T
    return wts, idx, z[0, 0], aux[0, 0]

# --- scband reference (transcript-rebuilt; emitter-appended) ---
"""Pipeline reference for scband-router-2302102471519 (READ-ONLY COPY).

The authoritative reference and input builder live on the scoring server;
editing this copy changes nothing except your own understanding.
"""

import jax, jax.numpy as jnp
import numpy as np

NUM_EXPERTS = 8
TOP_K = 2
D_MODEL = 768
N_TOKENS = 32768
Z_LOSS_COEFF = 0.001
AUX_LOSS_COEFF = 0.01


def setup_inputs(seed: int = 0) -> dict:
    key = jax.random.key(seed)
    k1, k2 = jax.random.split(key)
    x = jax.random.normal(k1, (N_TOKENS, D_MODEL), dtype=jnp.float32)
    W = jax.random.normal(k2, (NUM_EXPERTS, D_MODEL), dtype=jnp.float32) * (1.0 / np.sqrt(D_MODEL))
    return {"x": x, "W": W}


def reference(x, W):
    # router linear layer (no bias): logits = x @ W^T
    logits = x.reshape(-1, x.shape[-1]) @ W.T  # [N, E]
    # z-loss (ST-MoE): mean(logsumexp(logits)^2) * coeff; forward pass is identity on logits
    z_loss = jnp.mean(jnp.square(jax.nn.logsumexp(logits.astype(jnp.float32), axis=-1))) * Z_LOSS_COEFF
    # top-k softmax routing (default 'topk' path; eval mode, no jitter)
    scores = jax.nn.softmax(logits, axis=-1)
    expert_weights, expert_indices = jax.lax.top_k(scores, TOP_K)
    # switch load-balancing aux loss
    tokens_per_expert = jnp.sum(
        jax.nn.one_hot(expert_indices, NUM_EXPERTS, dtype=jnp.float32), axis=(0, 1)
    )  # [E]
    aggregated_probs_per_expert = jnp.sum(scores, axis=0)  # [E]
    num_tokens = scores.shape[0]
    aux_loss = jnp.sum(aggregated_probs_per_expert * tokens_per_expert) * (
        NUM_EXPERTS * AUX_LOSS_COEFF / (num_tokens * num_tokens * TOP_K)
    )
    return expert_weights, expert_indices, z_loss, aux_loss

if __name__ == "__main__":
    import jax
    _d = setup_inputs()
    print(jax.jit(kernel)(*tuple(_d.values())))

</pallas_src>

<mosaic_0001>
#map = affine_map<(d0, d1) -> (0, 0)>
module attributes {stable_mosaic.version = 14 : i64} {
  func.func @_sc_route(%arg0: i32, %arg1: i32, %arg2: memref<8x16384xf32, #tpu.memory_space<hbm>>, %arg3: memref<2x16384xf32, #tpu.memory_space<hbm>>, %arg4: memref<2x16384xi32, #tpu.memory_space<hbm>>, %arg5: memref<32x128xf32, #tpu.memory_space<hbm>>, %arg6: memref<8x512xf32, #tpu.memory_space<vmem>>, %arg7: memref<2x512xf32, #tpu.memory_space<vmem>>, %arg8: memref<2x512xi32, #tpu.memory_space<vmem>>, %arg9: memref<128xf32, #tpu.memory_space<vmem>>) attributes {dimension_semantics = [#tpu.dimension_semantics<core_parallel>, #tpu.dimension_semantics<subcore_parallel>], iteration_bounds = array<i64: 2, 16>, scalar_prefetch = 0 : i64, scratch_operands = 4 : i64, tpu.core_type = #tpu.core_type<sc_vector_subcore>, window_params = [{transform_indices = #map}, {transform_indices = #map}, {transform_indices = #map}, {transform_indices = #map}]} {
    %mul3A = arith.constant 2 : i32
    %mul3A_0 = arith.muli %arg1, %mul3A : i32
    %add3A = arith.addi %mul3A_0, %arg0 : i32
    %mul3A_1 = arith.constant 512 : i32
    %mul3A_2 = arith.muli %add3A, %mul3A_1 : i32
    "tpu.region"() ({
      %run_scoped3A = tpu.sem_alloc : memref<!tpu.dma_semaphore, #tpu.memory_space<semaphore_mem>>
      %dma_start3A = arith.constant 0 : i32
      %dma_start3A_40 = tpu.memref_slice %arg2[%dma_start3A, %mul3A_2] : memref<8x16384xf32, #tpu.memory_space<hbm>> -> memref<8x512xf32, #tpu.memory_space<hbm>>
      %dma_start3A_41 = arith.constant 0 : i32
      %dma_start3A_42 = tpu.memref_slice %arg2[%dma_start3A_41, %mul3A_2] : memref<8x16384xf32, #tpu.memory_space<hbm>> -> memref<8x512xf32, #tpu.memory_space<hbm>>
      tpu.enqueue_dma source(%dma_start3A_42 : memref<8x512xf32, #tpu.memory_space<hbm>>) target(%arg6 : memref<8x512xf32, #tpu.memory_space<vmem>>) target_semaphore(%run_scoped3A : memref<!tpu.dma_semaphore, #tpu.memory_space<semaphore_mem>>)
      %dma_wait3A = arith.constant 0 : i32
      %dma_wait3A_43 = tpu.memref_slice %arg2[%dma_wait3A, %mul3A_2] : memref<8x16384xf32, #tpu.memory_space<hbm>> -> memref<8x512xf32, #tpu.memory_space<hbm>>
      %dma_wait3A_44 = arith.constant 0 : i32
      %dma_wait3A_45 = tpu.memref_slice %arg2[%dma_wait3A_44, %mul3A_2] : memref<8x16384xf32, #tpu.memory_space<hbm>> -> memref<8x512xf32, #tpu.memory_space<hbm>>
      tpu.wait_dma2 semaphore(%run_scoped3A : memref<!tpu.dma_semaphore, #tpu.memory_space<semaphore_mem>>) src(%dma_wait3A_45 : memref<8x512xf32, #tpu.memory_space<hbm>>) dst(%arg6 : memref<8x512xf32, #tpu.memory_space<vmem>>)
      tpu.yield
    }) : () -> ()
    %broadcast_in_dim3A = arith.constant 0.000000e+00 : f32
    %broadcast_in_dim3A_3 = vector.broadcast %broadcast_in_dim3A : f32 to vector<16xf32>
    %scan3A = arith.constant 0 : i32
    %scan3A_4 = arith.constant 32 : i32
    %scan3A_5 = arith.addi %scan3A, %scan3A_4 : i32
    %scan3A_6 = arith.constant 1 : i32
    %scan3A_7:8 = scf.for %scan3A_40 = %scan3A to %scan3A_5 step %scan3A_6 iter_args(%scan3A_41 = %broadcast_in_dim3A_3, %scan3A_42 = %broadcast_in_dim3A_3, %scan3A_43 = %broadcast_in_dim3A_3, %scan3A_44 = %broadcast_in_dim3A_3, %scan3A_45 = %broadcast_in_dim3A_3, %scan3A_46 = %broadcast_in_dim3A_3, %scan3A_47 = %broadcast_in_dim3A_3, %scan3A_48 = %broadcast_in_dim3A_3) -> (vector<16xf32>, vector<16xf32>, vector<16xf32>, vector<16xf32>, vector<16xf32>, vector<16xf32>, vector<16xf32>, vector<16xf32>)  : i32 {
      %mul3A_49 = arith.constant 16 : i32
      %mul3A_50 = arith.muli %scan3A_40, %mul3A_49 : i32
      %get3A = arith.constant 0 : i32
      %get3A_51 = arith.index_cast %get3A : i32 to index
      %get3A_52 = arith.index_cast %mul3A_50 : i32 to index
      %get3A_53 = tpu.vector_load %arg6[%get3A_51, %get3A_52] {strides = array<i32>} : memref<8x512xf32, #tpu.memory_space<vmem>>, vector<1x16xf32>,
      %get3A_54 = vector.shape_cast %get3A_53 : vector<1x16xf32> to vector<16xf32>
      %get3A_55 = arith.constant 1 : i32
      %get3A_56 = arith.index_cast %get3A_55 : i32 to index
      %get3A_57 = arith.index_cast %mul3A_50 : i32 to index
      %get3A_58 = tpu.vector_load %arg6[%get3A_56, %get3A_57] {strides = array<i32>} : memref<8x512xf32, #tpu.memory_space<vmem>>, vector<1x16xf32>,
      %get3A_59 = vector.shape_cast %get3A_58 : vector<1x16xf32> to vector<16xf32>
      %get3A_60 = arith.constant 2 : i32
      %get3A_61 = arith.index_cast %get3A_60 : i32 to index
      %get3A_62 = arith.index_cast %mul3A_50 : i32 to index
      %get3A_63 = tpu.vector_load %arg6[%get3A_61, %get3A_62] {strides = array<i32>} : memref<8x512xf32, #tpu.memory_space<vmem>>, vector<1x16xf32>,
      %get3A_64 = vector.shape_cast %get3A_63 : vector<1x16xf32> to vector<16xf32>
      %get3A_65 = arith.constant 3 : i32
      %get3A_66 = arith.index_cast %get3A_65 : i32 to index
      %get3A_67 = arith.index_cast %mul3A_50 : i32 to index
      %get3A_68 = tpu.vector_load %arg6[%get3A_66, %get3A_67] {strides = array<i32>} : memref<8x512xf32, #tpu.memory_space<vmem>>, vector<1x16xf32>,
      %get3A_69 = vector.shape_cast %get3A_68 : vector<1x16xf32> to vector<16xf32>
      %get3A_70 = arith.constant 4 : i32
      %get3A_71 = arith.index_cast %get3A_70 : i32 to index
      %get3A_72 = arith.index_cast %mul3A_50 : i32 to index
      %get3A_73 = tpu.vector_load %arg6[%get3A_71, %get3A_72] {strides = array<i32>} : memref<8x512xf32, #tpu.memory_space<vmem>>, vector<1x16xf32>,
      %get3A_74 = vector.shape_cast %get3A_73 : vector<1x16xf32> to vector<16xf32>
      %get3A_75 = arith.constant 5 : i32
      %get3A_76 = arith.index_cast %get3A_75 : i32 to index
      %get3A_77 = arith.index_cast %mul3A_50 : i32 to index
      %get3A_78 = tpu.vector_load %arg6[%get3A_76, %get3A_77] {strides = array<i32>} : memref<8x512xf32, #tpu.memory_space<vmem>>, vector<1x16xf32>,
      %get3A_79 = vector.shape_cast %get3A_78 : vector<1x16xf32> to vector<16xf32>
      %get3A_80 = arith.constant 6 : i32
      %get3A_81 = arith.index_cast %get3A_80 : i32 to index
      %get3A_82 = arith.index_cast %mul3A_50 : i32 to index
      %get3A_83 = tpu.vector_load %arg6[%get3A_81, %get3A_82] {strides = array<i32>} : memref<8x512xf32, #tpu.memory_space<vmem>>, vector<1x16xf32>,
      %get3A_84 = vector.shape_cast %get3A_83 : vector<1x16xf32> to vector<16xf32>
      %get3A_85 = arith.constant 7 : i32
      %get3A_86 = arith.index_cast %get3A_85 : i32 to index
      %get3A_87 = arith.index_cast %mul3A_50 : i32 to index
      %get3A_88 = tpu.vector_load %arg6[%get3A_86, %get3A_87] {strides = array<i32>} : memref<8x512xf32, #tpu.memory_space<vmem>>, vector<1x16xf32>,
      %get3A_89 = vector.shape_cast %get3A_88 : vector<1x16xf32> to vector<16xf32>
      %max3A = arith.maximumf %get3A_54, %get3A_59 : vector<16xf32>
      %max3A_90 = arith.maximumf %max3A, %get3A_64 : vector<16xf32>
      %max3A_91 = arith.maximumf %max3A_90, %get3A_69 : vector<16xf32>
      %max3A_92 = arith.maximumf %max3A_91, %get3A_74 : vector<16xf32>
      %max3A_93 = arith.maximumf %max3A_92, %get3A_79 : vector<16xf32>
      %max3A_94 = arith.maximumf %max3A_93, %get3A_84 : vector<16xf32>
      %max3A_95 = arith.maximumf %max3A_94, %get3A_89 : vector<16xf32>
      %broadcast_in_dim3A_96 = arith.constant 8 : i32
      %broadcast_in_dim3A_97 = vector.broadcast %broadcast_in_dim3A_96 : i32 to vector<16xi32>
      %eq3A = arith.cmpf oeq, %get3A_89, %max3A_95 : vector<16xf32>
      %jit3A = arith.constant 7 : i32
      %broadcast_in_dim3A_98 = vector.broadcast %jit3A : i32 to vector<16xi32>
      %select_n3A = arith.select %eq3A, %broadcast_in_dim3A_98, %broadcast_in_dim3A_97 : vector<16xi1>, vector<16xi32>
      %eq3A_99 = arith.cmpf oeq, %get3A_84, %max3A_95 : vector<16xf32>
      %jit3A_100 = arith.constant 6 : i32
      %broadcast_in_dim3A_101 = vector.broadcast %jit3A_100 : i32 to vector<16xi32>
      %select_n3A_102 = arith.select %eq3A_99, %broadcast_in_dim3A_101, %select_n3A : vector<16xi1>, vector<16xi32>
      %eq3A_103 = arith.cmpf oeq, %get3A_79, %max3A_95 : vector<16xf32>
      %jit3A_104 = arith.constant 5 : i32
      %broadcast_in_dim3A_105 = vector.broadcast %jit3A_104 : i32 to vector<16xi32>
      %select_n3A_106 = arith.select %eq3A_103, %broadcast_in_dim3A_105, %select_n3A_102 : vector<16xi1>, vector<16xi32>
      %eq3A_107 = arith.cmpf oeq, %get3A_74, %max3A_95 : vector<16xf32>
      %jit3A_108 = arith.constant 4 : i32
      %broadcast_in_dim3A_109 = vector.broadcast %jit3A_108 : i32 to vector<16xi32>
      %select_n3A_110 = arith.select %eq3A_107, %broadcast_in_dim3A_109, %select_n3A_106 : vector<16xi1>, vector<16xi32>
      %eq3A_111 = arith.cmpf oeq, %get3A_69, %max3A_95 : vector<16xf32>
      %jit3A_112 = arith.constant 3 : i32
      %broadcast_in_dim3A_113 = vector.broadcast %jit3A_112 : i32 to vector<16xi32>
      %select_n3A_114 = arith.select %eq3A_111, %broadcast_in_dim3A_113, %select_n3A_110 : vector<16xi1>, vector<16xi32>
      %eq3A_115 = arith.cmpf oeq, %get3A_64, %max3A_95 : vector<16xf32>
      %jit3A_116 = arith.constant 2 : i32
      %broadcast_in_dim3A_117 = vector.broadcast %jit3A_116 : i32 to vector<16xi32>
      %select_n3A_118 = arith.select %eq3A_115, %broadcast_in_dim3A_117, %select_n3A_114 : vector<16xi1>, vector<16xi32>
      %eq3A_119 = arith.cmpf oeq, %get3A_59, %max3A_95 : vector<16xf32>
      %jit3A_120 = arith.constant 1 : i32
      %broadcast_in_dim3A_121 = vector.broadcast %jit3A_120 : i32 to vector<16xi32>
      %select_n3A_122 = arith.select %eq3A_119, %broadcast_in_dim3A_121, %select_n3A_118 : vector<16xi1>, vector<16xi32>
      %eq3A_123 = arith.cmpf oeq, %get3A_54, %max3A_95 : vector<16xf32>
      %jit3A_124 = arith.constant 0 : i32
      %broadcast_in_dim3A_125 = vector.broadcast %jit3A_124 : i32 to vector<16xi32>
      %select_n3A_126 = arith.select %eq3A_123, %broadcast_in_dim3A_125, %select_n3A_122 : vector<16xi1>, vector<16xi32>
      %eq3A_127 = arith.constant 0 : i32
      %eq3A_128 = vector.broadcast %eq3A_127 : i32 to vector<16xi32>
      %eq3A_129 = arith.cmpi eq, %select_n3A_126, %eq3A_128 : vector<16xi32>
      %jit3A_130 = arith.constant -3.000000e+38 : f32
      %broadcast_in_dim3A_131 = vector.broadcast %jit3A_130 : f32 to vector<16xf32>
      %select_n3A_132 = arith.select %eq3A_129, %broadcast_in_dim3A_131, %get3A_54 : vector<16xi1>, vector<16xf32>
      %eq3A_133 = arith.constant 1 : i32
      %eq3A_134 = vector.broadcast %eq3A_133 : i32 to vector<16xi32>
      %eq3A_135 = arith.cmpi eq, %select_n3A_126, %eq3A_134 : vector<16xi32>
      %jit3A_136 = arith.constant -3.000000e+38 : f32
      %broadcast_in_dim3A_137 = vector.broadcast %jit3A_136 : f32 to vector<16xf32>
      %select_n3A_138 = arith.select %eq3A_135, %broadcast_in_dim3A_137, %get3A_59 : vector<16xi1>, vector<16xf32>
      %max3A_139 = arith.maximumf %select_n3A_132, %select_n3A_138 : vector<16xf32>
      %eq3A_140 = arith.constant 2 : i32
      %eq3A_141 = vector.broadcast %eq3A_140 : i32 to vector<16xi32>
      %eq3A_142 = arith.cmpi eq, %select_n3A_126, %eq3A_141 : vector<16xi32>
      %jit3A_143 = arith.constant -3.000000e+38 : f32
      %broadcast_in_dim3A_144 = vector.broadcast %jit3A_143 : f32 to vector<16xf32>
      %select_n3A_145 = arith.select %eq3A_142, %broadcast_in_dim3A_144, %get3A_64 : vector<16xi1>, vector<16xf32>
      %max3A_146 = arith.maximumf %max3A_139, %select_n3A_145 : vector<16xf32>
      %eq3A_147 = arith.constant 3 : i32
      %eq3A_148 = vector.broadcast %eq3A_147 : i32 to vector<16xi32>
      %eq3A_149 = arith.cmpi eq, %select_n3A_126, %eq3A_148 : vector<16xi32>
      %jit3A_150 = arith.constant -3.000000e+38 : f32
      %broadcast_in_dim3A_151 = vector.broadcast %jit3A_150 : f32 to vector<16xf32>
      %select_n3A_152 = arith.select %eq3A_149, %broadcast_in_dim3A_151, %get3A_69 : vector<16xi1>, vector<16xf32>
      %max3A_153 = arith.maximumf %max3A_146, %select_n3A_152 : vector<16xf32>
      %eq3A_154 = arith.constant 4 : i32
      %eq3A_155 = vector.broadcast %eq3A_154 : i32 to vector<16xi32>
      %eq3A_156 = arith.cmpi eq, %select_n3A_126, %eq3A_155 : vector<16xi32>
      %jit3A_157 = arith.constant -3.000000e+38 : f32
      %broadcast_in_dim3A_158 = vector.broadcast %jit3A_157 : f32 to vector<16xf32>
      %select_n3A_159 = arith.select %eq3A_156, %broadcast_in_dim3A_158, %get3A_74 : vector<16xi1>, vector<16xf32>
      %max3A_160 = arith.maximumf %max3A_153, %select_n3A_159 : vector<16xf32>
      %eq3A_161 = arith.constant 5 : i32
      %eq3A_162 = vector.broadcast %eq3A_161 : i32 to vector<16xi32>
      %eq3A_163 = arith.cmpi eq, %select_n3A_126, %eq3A_162 : vector<16xi32>
      %jit3A_164 = arith.constant -3.000000e+38 : f32
      %broadcast_in_dim3A_165 = vector.broadcast %jit3A_164 : f32 to vector<16xf32>
      %select_n3A_166 = arith.select %eq3A_163, %broadcast_in_dim3A_165, %get3A_79 : vector<16xi1>, vector<16xf32>
      %max3A_167 = arith.maximumf %max3A_160, %select_n3A_166 : vector<16xf32>
      %eq3A_168 = arith.constant 6 : i32
      %eq3A_169 = vector.broadcast %eq3A_168 : i32 to vector<16xi32>
      %eq3A_170 = arith.cmpi eq, %select_n3A_126, %eq3A_169 : vector<16xi32>
      %jit3A_171 = arith.constant -3.000000e+38 : f32
      %broadcast_in_dim3A_172 = vector.broadcast %jit3A_171 : f32 to vector<16xf32>
      %select_n3A_173 = arith.select %eq3A_170, %broadcast_in_dim3A_172, %get3A_84 : vector<16xi1>, vector<16xf32>
      %max3A_174 = arith.maximumf %max3A_167, %select_n3A_173 : vector<16xf32>
      %eq3A_175 = arith.constant 7 : i32
      %eq3A_176 = vector.broadcast %eq3A_175 : i32 to vector<16xi32>
      %eq3A_177 = arith.cmpi eq, %select_n3A_126, %eq3A_176 : vector<16xi32>
      %jit3A_178 = arith.constant -3.000000e+38 : f32
      %broadcast_in_dim3A_179 = vector.broadcast %jit3A_178 : f32 to vector<16xf32>
      %select_n3A_180 = arith.select %eq3A_177, %broadcast_in_dim3A_179, %get3A_89 : vector<16xi1>, vector<16xf32>
      %max3A_181 = arith.maximumf %max3A_174, %select_n3A_180 : vector<16xf32>
      %eq3A_182 = arith.cmpf oeq, %get3A_89, %max3A_181 : vector<16xf32>
      %ne3A = arith.constant 7 : i32
      %ne3A_183 = vector.broadcast %ne3A : i32 to vector<16xi32>
      %ne3A_184 = arith.cmpi ne, %select_n3A_126, %ne3A_183 : vector<16xi32>
      %and3A = arith.andi %eq3A_182, %ne3A_184 : vector<16xi1>
      %jit3A_185 = arith.constant 7 : i32
      %broadcast_in_dim3A_186 = vector.broadcast %jit3A_185 : i32 to vector<16xi32>
      %select_n3A_187 = arith.select %and3A, %broadcast_in_dim3A_186, %broadcast_in_dim3A_97 : vector<16xi1>, vector<16xi32>
      %eq3A_188 = arith.cmpf oeq, %get3A_84, %max3A_181 : vector<16xf32>
      %ne3A_189 = arith.constant 6 : i32
      %ne3A_190 = vector.broadcast %ne3A_189 : i32 to vector<16xi32>
      %ne3A_191 = arith.cmpi ne, %select_n3A_126, %ne3A_190 : vector<16xi32>
      %and3A_192 = arith.andi %eq3A_188, %ne3A_191 : vector<16xi1>
      %jit3A_193 = arith.constant 6 : i32
      %broadcast_in_dim3A_194 = vector.broadcast %jit3A_193 : i32 to vector<16xi32>
      %select_n3A_195 = arith.select %and3A_192, %broadcast_in_dim3A_194, %select_n3A_187 : vector<16xi1>, vector<16xi32>
      %eq3A_196 = arith.cmpf oeq, %get3A_79, %max3A_181 : vector<16xf32>
      %ne3A_197 = arith.constant 5 : i32
      %ne3A_198 = vector.broadcast %ne3A_197 : i32 to vector<16xi32>
      %ne3A_199 = arith.cmpi ne, %select_n3A_126, %ne3A_198 : vector<16xi32>
      %and3A_200 = arith.andi %eq3A_196, %ne3A_199 : vector<16xi1>
      %jit3A_201 = arith.constant 5 : i32
      %broadcast_in_dim3A_202 = vector.broadcast %jit3A_201 : i32 to vector<16xi32>
      %select_n3A_203 = arith.select %and3A_200, %broadcast_in_dim3A_202, %select_n3A_195 : vector<16xi1>, vector<16xi32>
      %eq3A_204 = arith.cmpf oeq, %get3A_74, %max3A_181 : vector<16xf32>
      %ne3A_205 = arith.constant 4 : i32
      %ne3A_206 = vector.broadcast %ne3A_205 : i32 to vector<16xi32>
      %ne3A_207 = arith.cmpi ne, %select_n3A_126, %ne3A_206 : vector<16xi32>
      %and3A_208 = arith.andi %eq3A_204, %ne3A_207 : vector<16xi1>
      %jit3A_209 = arith.constant 4 : i32
      %broadcast_in_dim3A_210 = vector.broadcast %jit3A_209 : i32 to vector<16xi32>
      %select_n3A_211 = arith.select %and3A_208, %broadcast_in_dim3A_210, %select_n3A_203 : vector<16xi1>, vector<16xi32>
      %eq3A_212 = arith.cmpf oeq, %get3A_69, %max3A_181 : vector<16xf32>
      %ne3A_213 = arith.constant 3 : i32
      %ne3A_214 = vector.broadcast %ne3A_213 : i32 to vector<16xi32>
      %ne3A_215 = arith.cmpi ne, %select_n3A_126, %ne3A_214 : vector<16xi32>
      %and3A_216 = arith.andi %eq3A_212, %ne3A_215 : vector<16xi1>
      %jit3A_217 = arith.constant 3 : i32
      %broadcast_in_dim3A_218 = vector.broadcast %jit3A_217 : i32 to vector<16xi32>
      %select_n3A_219 = arith.select %and3A_216, %broadcast_in_dim3A_218, %select_n3A_211 : vector<16xi1>, vector<16xi32>
      %eq3A_220 = arith.cmpf oeq, %get3A_64, %max3A_181 : vector<16xf32>
      %ne3A_221 = arith.constant 2 : i32
      %ne3A_222 = vector.broadcast %ne3A_221 : i32 to vector<16xi32>
      %ne3A_223 = arith.cmpi ne, %select_n3A_126, %ne3A_222 : vector<16xi32>
      %and3A_224 = arith.andi %eq3A_220, %ne3A_223 : vector<16xi1>
      %jit3A_225 = arith.constant 2 : i32
      %broadcast_in_dim3A_226 = vector.broadcast %jit3A_225 : i32 to vector<16xi32>
      %select_n3A_227 = arith.select %and3A_224, %broadcast_in_dim3A_226, %select_n3A_219 : vector<16xi1>, vector<16xi32>
      %eq3A_228 = arith.cmpf oeq, %get3A_59, %max3A_181 : vector<16xf32>
      %ne3A_229 = arith.constant 1 : i32
      %ne3A_230 = vector.broadcast %ne3A_229 : i32 to vector<16xi32>
      %ne3A_231 = arith.cmpi ne, %select_n3A_126, %ne3A_230 : vector<16xi32>
      %and3A_232 = arith.andi %eq3A_228, %ne3A_231 : vector<16xi1>
      %jit3A_233 = arith.constant 1 : i32
      %broadcast_in_dim3A_234 = vector.broadcast %jit3A_233 : i32 to vector<16xi32>
      %select_n3A_235 = arith.select %and3A_232, %broadcast_in_dim3A_234, %select_n3A_227 : vector<16xi1>, vector<16xi32>
      %eq3A_236 = arith.cmpf oeq, %get3A_54, %max3A_181 : vector<16xf32>
      %ne3A_237 = arith.constant 0 : i32
      %ne3A_238 = vector.broadcast %ne3A_237 : i32 to vector<16xi32>
      %ne3A_239 = arith.cmpi ne, %select_n3A_126, %ne3A_238 : vector<16xi32>
      %and3A_240 = arith.andi %eq3A_236, %ne3A_239 : vector<16xi1>
      %jit3A_241 = arith.constant 0 : i32
      %broadcast_in_dim3A_242 = vector.broadcast %jit3A_241 : i32 to vector<16xi32>
      %select_n3A_243 = arith.select %and3A_240, %broadcast_in_dim3A_242, %select_n3A_235 : vector<16xi1>, vector<16xi32>
      %sub3A = arith.subf %get3A_54, %max3A_95 : vector<16xf32>
      %exp3A = math.exp %sub3A : vector<16xf32>
      %sub3A_244 = arith.subf %get3A_59, %max3A_95 : vector<16xf32>
      %exp3A_245 = math.exp %sub3A_244 : vector<16xf32>
      %add3A_246 = arith.addf %exp3A, %exp3A_245 : vector<16xf32>
      %sub3A_247 = arith.subf %get3A_64, %max3A_95 : vector<16xf32>
      %exp3A_248 = math.exp %sub3A_247 : vector<16xf32>
      %add3A_249 = arith.addf %add3A_246, %exp3A_248 : vector<16xf32>
      %sub3A_250 = arith.subf %get3A_69, %max3A_95 : vector<16xf32>
      %exp3A_251 = math.exp %sub3A_250 : vector<16xf32>
      %add3A_252 = arith.addf %add3A_249, %exp3A_251 : vector<16xf32>
      %sub3A_253 = arith.subf %get3A_74, %max3A_95 : vector<16xf32>
      %exp3A_254 = math.exp %sub3A_253 : vector<16xf32>
      %add3A_255 = arith.addf %add3A_252, %exp3A_254 : vector<16xf32>
      %sub3A_256 = arith.subf %get3A_79, %max3A_95 : vector<16xf32>
      %exp3A_257 = math.exp %sub3A_256 : vector<16xf32>
      %add3A_258 = arith.addf %add3A_255, %exp3A_257 : vector<16xf32>
      %sub3A_259 = arith.subf %get3A_84, %max3A_95 : vector<16xf32>
      %exp3A_260 = math.exp %sub3A_259 : vector<16xf32>
      %add3A_261 = arith.addf %add3A_258, %exp3A_260 : vector<16xf32>
      %sub3A_262 = arith.subf %get3A_89, %max3A_95 : vector<16xf32>
      %exp3A_263 = math.exp %sub3A_262 : vector<16xf32>
      %add3A_264 = arith.addf %add3A_261, %exp3A_263 : vector<16xf32>
      %div3A = arith.constant 1.000000e+00 : f32
      %div3A_265 = vector.broadcast %div3A : f32 to vector<16xf32>
      %div3A_266 = arith.divf %div3A_265, %add3A_264 : vector<16xf32>
      %swap3A_267 = arith.constant 0 : i32
      %swap3A_268 = arith.index_cast %swap3A_267 : i32 to index
      %swap3A_269 = arith.index_cast %mul3A_50 : i32 to index
      %swap3A_270 = tpu.vector_load %arg7[%swap3A_268, %swap3A_269] {strides = array<i32>} : memref<2x512xf32, #tpu.memory_space<vmem>>, vector<1x16xf32>,
      %swap3A_271 = vector.shape_cast %swap3A_270 : vector<1x16xf32> to vector<16xf32>
      %swap3A_272 = vector.shape_cast %div3A_266 : vector<16xf32> to vector<1x16xf32>
      tpu.vector_store %arg7[%swap3A_268, %swap3A_269], %swap3A_272 {strides = array<i32>} : memref<2x512xf32, #tpu.memory_space<vmem>>, vector<1x16xf32>,
      %sub3A_273 = arith.subf %max3A_181, %max3A_95 : vector<16xf32>
      %exp3A_274 = math.exp %sub3A_273 : vector<16xf32>
      %mul3A_275 = arith.mulf %exp3A_274, %div3A_266 : vector<16xf32>
      %swap3A_276 = arith.constant 1 : i32
      %swap3A_277 = arith.index_cast %swap3A_276 : i32 to index
      %swap3A_278 = arith.index_cast %mul3A_50 : i32 to index
      %swap3A_279 = tpu.vector_load %arg7[%swap3A_277, %swap3A_278] {strides = array<i32>} : memref<2x512xf32, #tpu.memory_space<vmem>>, vector<1x16xf32>,
      %swap3A_280 = vector.shape_cast %swap3A_279 : vector<1x16xf32> to vector<16xf32>
      %swap3A_281 = vector.shape_cast %mul3A_275 : vector<16xf32> to vector<1x16xf32>
      tpu.vector_store %arg7[%swap3A_277, %swap3A_278], %swap3A_281 {strides = array<i32>} : memref<2x512xf32, #tpu.memory_space<vmem>>, vector<1x16xf32>,
      %swap3A_282 = arith.constant 0 : i32
      %swap3A_283 = arith.index_cast %swap3A_282 : i32 to index
      %swap3A_284 = arith.index_cast %mul3A_50 : i32 to index
      %swap3A_285 = tpu.vector_load %arg8[%swap3A_283, %swap3A_284] {strides = array<i32>} : memref<2x512xi32, #tpu.memory_space<vmem>>, vector<1x16xi32>,
      %swap3A_286 = vector.shape_cast %swap3A_285 : vector<1x16xi32> to vector<16xi32>
      %swap3A_287 = vector.shape_cast %select_n3A_126 : vector<16xi32> to vector<1x16xi32>
      tpu.vector_store %arg8[%swap3A_283, %swap3A_284], %swap3A_287 {strides = array<i32>} : memref<2x512xi32, #tpu.memory_space<vmem>>, vector<1x16xi32>,
      %swap3A_288 = arith.constant 1 : i32
      %swap3A_289 = arith.index_cast %swap3A_288 : i32 to index
      %swap3A_290 = arith.index_cast %mul3A_50 : i32 to index
      %swap3A_291 = tpu.vector_load %arg8[%swap3A_289, %swap3A_290] {strides = array<i32>} : memref<2x512xi32, #tpu.memory_space<vmem>>, vector<1x16xi32>,
      %swap3A_292 = vector.shape_cast %swap3A_291 : vector<1x16xi32> to vector<16xi32>
      %swap3A_293 = vector.shape_cast %select_n3A_243 : vector<16xi32> to vector<1x16xi32>
      tpu.vector_store %arg8[%swap3A_289, %swap3A_290], %swap3A_293 {strides = array<i32>} : memref<2x512xi32, #tpu.memory_space<vmem>>, vector<1x16xi32>,
      %eq3A_294 = arith.constant 0 : i32
      %eq3A_295 = vector.broadcast %eq3A_294 : i32 to vector<16xi32>
      %eq3A_296 = arith.cmpi eq, %select_n3A_126, %eq3A_295 : vector<16xi32>
      %jit3A_297 = arith.constant 1.000000e+00 : f32
      %jit3A_298 = arith.constant 0.000000e+00 : f32
      %broadcast_in_dim3A_299 = vector.broadcast %jit3A_297 : f32 to vector<16xf32>
      %broadcast_in_dim3A_300 = vector.broadcast %jit3A_298 : f32 to vector<16xf32>
      %select_n3A_301 = arith.select %eq3A_296, %broadcast_in_dim3A_299, %broadcast_in_dim3A_300 : vector<16xi1>, vector<16xf32>
      %eq3A_302 = arith.constant 0 : i32
      %eq3A_303 = vector.broadcast %eq3A_302 : i32 to vector<16xi32>
      %eq3A_304 = arith.cmpi eq, %select_n3A_243, %eq3A_303 : vector<16xi32>
      %jit3A_305 = arith.constant 1.000000e+00 : f32
      %jit3A_306 = arith.constant 0.000000e+00 : f32
      %broadcast_in_dim3A_307 = vector.broadcast %jit3A_305 : f32 to vector<16xf32>
      %broadcast_in_dim3A_308 = vector.broadcast %jit3A_306 : f32 to vector<16xf32>
      %select_n3A_309 = arith.select %eq3A_304, %broadcast_in_dim3A_307, %broadcast_in_dim3A_308 : vector<16xi1>, vector<16xf32>
      %add3A_310 = arith.addf %select_n3A_301, %select_n3A_309 : vector<16xf32>
      %add3A_311 = arith.addf %scan3A_41, %add3A_310 : vector<16xf32>
      %eq3A_312 = arith.constant 1 : i32
      %eq3A_313 = vector.broadcast %eq3A_312 : i32 to vector<16xi32>
      %eq3A_314 = arith.cmpi eq, %select_n3A_126, %eq3A_313 : vector<16xi32>
      %jit3A_315 = arith.constant 1.000000e+00 : f32
      %jit3A_316 = arith.constant 0.000000e+00 : f32
      %broadcast_in_dim3A_317 = vector.broadcast %jit3A_315 : f32 to vector<16xf32>
      %broadcast_in_dim3A_318 = vector.broadcast %jit3A_316 : f32 to vector<16xf32>
      %select_n3A_319 = arith.select %eq3A_314, %broadcast_in_dim3A_317, %broadcast_in_dim3A_318 : vector<16xi1>, vector<16xf32>
      %eq3A_320 = arith.constant 1 : i32
      %eq3A_321 = vector.broadcast %eq3A_320 : i32 to vector<16xi32>
      %eq3A_322 = arith.cmpi eq, %select_n3A_243, %eq3A_321 : vector<16xi32>
      %jit3A_323 = arith.constant 1.000000e+00 : f32
      %jit3A_324 = arith.constant 0.000000e+00 : f32
      %broadcast_in_dim3A_325 = vector.broadcast %jit3A_323 : f32 to vector<16xf32>
      %broadcast_in_dim3A_326 = vector.broadcast %jit3A_324 : f32 to vector<16xf32>
      %select_n3A_327 = arith.select %eq3A_322, %broadcast_in_dim3A_325, %broadcast_in_dim3A_326 : vector<16xi1>, vector<16xf32>
      %add3A_328 = arith.addf %select_n3A_319, %select_n3A_327 : vector<16xf32>
      %add3A_329 = arith.addf %scan3A_42, %add3A_328 : vector<16xf32>
      %eq3A_330 = arith.constant 2 : i32
      %eq3A_331 = vector.broadcast %eq3A_330 : i32 to vector<16xi32>
      %eq3A_332 = arith.cmpi eq, %select_n3A_126, %eq3A_331 : vector<16xi32>
      %jit3A_333 = arith.constant 1.000000e+00 : f32
      %jit3A_334 = arith.constant 0.000000e+00 : f32
      %broadcast_in_dim3A_335 = vector.broadcast %jit3A_333 : f32 to vector<16xf32>
      %broadcast_in_dim3A_336 = vector.broadcast %jit3A_334 : f32 to vector<16xf32>
      %select_n3A_337 = arith.select %eq3A_332, %broadcast_in_dim3A_335, %broadcast_in_dim3A_336 : vector<16xi1>, vector<16xf32>
      %eq3A_338 = arith.constant 2 : i32
      %eq3A_339 = vector.broadcast %eq3A_338 : i32 to vector<16xi32>
      %eq3A_340 = arith.cmpi eq, %select_n3A_243, %eq3A_339 : vector<16xi32>
      %jit3A_341 = arith.constant 1.000000e+00 : f32
      %jit3A_342 = arith.constant 0.000000e+00 : f32
      %broadcast_in_dim3A_343 = vector.broadcast %jit3A_341 : f32 to vector<16xf32>
      %broadcast_in_dim3A_344 = vector.broadcast %jit3A_342 : f32 to vector<16xf32>
      %select_n3A_345 = arith.select %eq3A_340, %broadcast_in_dim3A_343, %broadcast_in_dim3A_344 : vector<16xi1>, vector<16xf32>
      %add3A_346 = arith.addf %select_n3A_337, %select_n3A_345 : vector<16xf32>
      %add3A_347 = arith.addf %scan3A_43, %add3A_346 : vector<16xf32>
      %eq3A_348 = arith.constant 3 : i32
      %eq3A_349 = vector.broadcast %eq3A_348 : i32 to vector<16xi32>
      %eq3A_350 = arith.cmpi eq, %select_n3A_126, %eq3A_349 : vector<16xi32>
      %jit3A_351 = arith.constant 1.000000e+00 : f32
      %jit3A_352 = arith.constant 0.000000e+00 : f32
      %broadcast_in_dim3A_353 = vector.broadcast %jit3A_351 : f32 to vector<16xf32>
      %broadcast_in_dim3A_354 = vector.broadcast %jit3A_352 : f32 to vector<16xf32>
      %select_n3A_355 = arith.select %eq3A_350, %broadcast_in_dim3A_353, %broadcast_in_dim3A_354 : vector<16xi1>, vector<16xf32>
      %eq3A_356 = arith.constant 3 : i32
      %eq3A_357 = vector.broadcast %eq3A_356 : i32 to vector<16xi32>
      %eq3A_358 = arith.cmpi eq, %select_n3A_243, %eq3A_357 : vector<16xi32>
      %jit3A_359 = arith.constant 1.000000e+00 : f32
      %jit3A_360 = arith.constant 0.000000e+00 : f32
      %broadcast_in_dim3A_361 = vector.broadcast %jit3A_359 : f32 to vector<16xf32>
      %broadcast_in_dim3A_362 = vector.broadcast %jit3A_360 : f32 to vector<16xf32>
      %select_n3A_363 = arith.select %eq3A_358, %broadcast_in_dim3A_361, %broadcast_in_dim3A_362 : vector<16xi1>, vector<16xf32>
      %add3A_364 = arith.addf %select_n3A_355, %select_n3A_363 : vector<16xf32>
      %add3A_365 = arith.addf %scan3A_44, %add3A_364 : vector<16xf32>
      %eq3A_366 = arith.constant 4 : i32
      %eq3A_367 = vector.broadcast %eq3A_366 : i32 to vector<16xi32>
      %eq3A_368 = arith.cmpi eq, %select_n3A_126, %eq3A_367 : vector<16xi32>
      %jit3A_369 = arith.constant 1.000000e+00 : f32
      %jit3A_370 = arith.constant 0.000000e+00 : f32
      %broadcast_in_dim3A_371 = vector.broadcast %jit3A_369 : f32 to vector<16xf32>
      %broadcast_in_dim3A_372 = vector.broadcast %jit3A_370 : f32 to vector<16xf32>
      %select_n3A_373 = arith.select %eq3A_368, %broadcast_in_dim3A_371, %broadcast_in_dim3A_372 : vector<16xi1>, vector<16xf32>
      %eq3A_374 = arith.constant 4 : i32
      %eq3A_375 = vector.broadcast %eq3A_374 : i32 to vector<16xi32>
      %eq3A_376 = arith.cmpi eq, %select_n3A_243, %eq3A_375 : vector<16xi32>
      %jit3A_377 = arith.constant 1.000000e+00 : f32
      %jit3A_378 = arith.constant 0.000000e+00 : f32
      %broadcast_in_dim3A_379 = vector.broadcast %jit3A_377 : f32 to vector<16xf32>
      %broadcast_in_dim3A_380 = vector.broadcast %jit3A_378 : f32 to vector<16xf32>
      %select_n3A_381 = arith.select %eq3A_376, %broadcast_in_dim3A_379, %broadcast_in_dim3A_380 : vector<16xi1>, vector<16xf32>
      %add3A_382 = arith.addf %select_n3A_373, %select_n3A_381 : vector<16xf32>
      %add3A_383 = arith.addf %scan3A_45, %add3A_382 : vector<16xf32>
      %eq3A_384 = arith.constant 5 : i32
      %eq3A_385 = vector.broadcast %eq3A_384 : i32 to vector<16xi32>
      %eq3A_386 = arith.cmpi eq, %select_n3A_126, %eq3A_385 : vector<16xi32>
      %jit3A_387 = arith.constant 1.000000e+00 : f32
      %jit3A_388 = arith.constant 0.000000e+00 : f32
      %broadcast_in_dim3A_389 = vector.broadcast %jit3A_387 : f32 to vector<16xf32>
      %broadcast_in_dim3A_390 = vector.broadcast %jit3A_388 : f32 to vector<16xf32>
      %select_n3A_391 = arith.select %eq3A_386, %broadcast_in_dim3A_389, %broadcast_in_dim3A_390 : vector<16xi1>, vector<16xf32>
      %eq3A_392 = arith.constant 5 : i32
      %eq3A_393 = vector.broadcast %eq3A_392 : i32 to vector<16xi32>
      %eq3A_394 = arith.cmpi eq, %select_n3A_243, %eq3A_393 : vector<16xi32>
      %jit3A_395 = arith.constant 1.000000e+00 : f32
      %jit3A_396 = arith.constant 0.000000e+00 : f32
      %broadcast_in_dim3A_397 = vector.broadcast %jit3A_395 : f32 to vector<16xf32>
      %broadcast_in_dim3A_398 = vector.broadcast %jit3A_396 : f32 to vector<16xf32>
      %select_n3A_399 = arith.select %eq3A_394, %broadcast_in_dim3A_397, %broadcast_in_dim3A_398 : vector<16xi1>, vector<16xf32>
      %add3A_400 = arith.addf %select_n3A_391, %select_n3A_399 : vector<16xf32>
      %add3A_401 = arith.addf %scan3A_46, %add3A_400 : vector<16xf32>
      %eq3A_402 = arith.constant 6 : i32
      %eq3A_403 = vector.broadcast %eq3A_402 : i32 to vector<16xi32>
      %eq3A_404 = arith.cmpi eq, %select_n3A_126, %eq3A_403 : vector<16xi32>
      %jit3A_405 = arith.constant 1.000000e+00 : f32
      %jit3A_406 = arith.constant 0.000000e+00 : f32
      %broadcast_in_dim3A_407 = vector.broadcast %jit3A_405 : f32 to vector<16xf32>
      %broadcast_in_dim3A_408 = vector.broadcast %jit3A_406 : f32 to vector<16xf32>
      %select_n3A_409 = arith.select %eq3A_404, %broadcast_in_dim3A_407, %broadcast_in_dim3A_408 : vector<16xi1>, vector<16xf32>
      %eq3A_410 = arith.constant 6 : i32
      %eq3A_411 = vector.broadcast %eq3A_410 : i32 to vector<16xi32>
      %eq3A_412 = arith.cmpi eq, %select_n3A_243, %eq3A_411 : vector<16xi32>
      %jit3A_413 = arith.constant 1.000000e+00 : f32
      %jit3A_414 = arith.constant 0.000000e+00 : f32
      %broadcast_in_dim3A_415 = vector.broadcast %jit3A_413 : f32 to vector<16xf32>
      %broadcast_in_dim3A_416 = vector.broadcast %jit3A_414 : f32 to vector<16xf32>
      %select_n3A_417 = arith.select %eq3A_412, %broadcast_in_dim3A_415, %broadcast_in_dim3A_416 : vector<16xi1>, vector<16xf32>
      %add3A_418 = arith.addf %select_n3A_409, %select_n3A_417 : vector<16xf32>
      %add3A_419 = arith.addf %scan3A_47, %add3A_418 : vector<16xf32>
      %eq3A_420 = arith.constant 7 : i32
      %eq3A_421 = vector.broadcast %eq3A_420 : i32 to vector<16xi32>
      %eq3A_422 = arith.cmpi eq, %select_n3A_126, %eq3A_421 : vector<16xi32>
      %jit3A_423 = arith.constant 1.000000e+00 : f32
      %jit3A_424 = arith.constant 0.000000e+00 : f32
      %broadcast_in_dim3A_425 = vector.broadcast %jit3A_423 : f32 to vector<16xf32>
      %broadcast_in_dim3A_426 = vector.broadcast %jit3A_424 : f32 to vector<16xf32>
      %select_n3A_427 = arith.select %eq3A_422, %broadcast_in_dim3A_425, %broadcast_in_dim3A_426 : vector<16xi1>, vector<16xf32>
      %eq3A_428 = arith.constant 7 : i32
      %eq3A_429 = vector.broadcast %eq3A_428 : i32 to vector<16xi32>
      %eq3A_430 = arith.cmpi eq, %select_n3A_243, %eq3A_429 : vector<16xi32>
      %jit3A_431 = arith.constant 1.000000e+00 : f32
      %jit3A_432 = arith.constant 0.000000e+00 : f32
      %broadcast_in_dim3A_433 = vector.broadcast %jit3A_431 : f32 to vector<16xf32>
      %broadcast_in_dim3A_434 = vector.broadcast %jit3A_432 : f32 to vector<16xf32>
      %select_n3A_435 = arith.select %eq3A_430, %broadcast_in_dim3A_433, %broadcast_in_dim3A_434 : vector<16xi1>, vector<16xf32>
      %add3A_436 = arith.addf %select_n3A_427, %select_n3A_435 : vector<16xf32>
      %add3A_437 = arith.addf %scan3A_48, %add3A_436 : vector<16xf32>
      scf.yield %add3A_311, %add3A_329, %add3A_347, %add3A_365, %add3A_383, %add3A_401, %add3A_419, %add3A_437 : vector<16xf32>, vector<16xf32>, vector<16xf32>, vector<16xf32>, vector<16xf32>, vector<16xf32>, vector<16xf32>, vector<16xf32>
    }
    %scan3A_8 = arith.constant 32 : i32
    %swap3A = arith.constant 0 : index
    %swap3A_9 = tpu.vector_load %arg9[%swap3A] {strides = array<i32>} : memref<128xf32, #tpu.memory_space<vmem>>, vector<16xf32>,
    %swap3A_10 = vector.shape_cast %swap3A_9 : vector<16xf32> to vector<16xf32>
    %swap3A_11 = vector.shape_cast %scan3A_7#0 : vector<16xf32> to vector<16xf32>
    tpu.vector_store %arg9[%swap3A], %swap3A_11 {strides = array<i32>} : memref<128xf32, #tpu.memory_space<vmem>>, vector<16xf32>,
    %swap3A_12 = arith.constant 16 : index
    %swap3A_13 = tpu.vector_load %arg9[%swap3A_12] {strides = array<i32>} : memref<128xf32, #tpu.memory_space<vmem>>, vector<16xf32>,
    %swap3A_14 = vector.shape_cast %swap3A_13 : vector<16xf32> to vector<16xf32>
    %swap3A_15 = vector.shape_cast %scan3A_7#1 : vector<16xf32> to vector<16xf32>
    tpu.vector_store %arg9[%swap3A_12], %swap3A_15 {strides = array<i32>} : memref<128xf32, #tpu.memory_space<vmem>>, vector<16xf32>,
    %swap3A_16 = arith.constant 32 : index
    %swap3A_17 = tpu.vector_load %arg9[%swap3A_16] {strides = array<i32>} : memref<128xf32, #tpu.memory_space<vmem>>, vector<16xf32>,
    %swap3A_18 = vector.shape_cast %swap3A_17 : vector<16xf32> to vector<16xf32>
    %swap3A_19 = vector.shape_cast %scan3A_7#2 : vector<16xf32> to vector<16xf32>
    tpu.vector_store %arg9[%swap3A_16], %swap3A_19 {strides = array<i32>} : memref<128xf32, #tpu.memory_space<vmem>>, vector<16xf32>,
    %swap3A_20 = arith.constant 48 : index
    %swap3A_21 = tpu.vector_load %arg9[%swap3A_20] {strides = array<i32>} : memref<128xf32, #tpu.memory_space<vmem>>, vector<16xf32>,
    %swap3A_22 = vector.shape_cast %swap3A_21 : vector<16xf32> to vector<16xf32>
    %swap3A_23 = vector.shape_cast %scan3A_7#3 : vector<16xf32> to vector<16xf32>
    tpu.vector_store %arg9[%swap3A_20], %swap3A_23 {strides = array<i32>} : memref<128xf32, #tpu.memory_space<vmem>>, vector<16xf32>,
    %swap3A_24 = arith.constant 64 : index
    %swap3A_25 = tpu.vector_load %arg9[%swap3A_24] {strides = array<i32>} : memref<128xf32, #tpu.memory_space<vmem>>, vector<16xf32>,
    %swap3A_26 = vector.shape_cast %swap3A_25 : vector<16xf32> to vector<16xf32>
    %swap3A_27 = vector.shape_cast %scan3A_7#4 : vector<16xf32> to vector<16xf32>
    tpu.vector_store %arg9[%swap3A_24], %swap3A_27 {strides = array<i32>} : memref<128xf32, #tpu.memory_space<vmem>>, vector<16xf32>,
    %swap3A_28 = arith.constant 80 : index
    %swap3A_29 = tpu.vector_load %arg9[%swap3A_28] {strides = array<i32>} : memref<128xf32, #tpu.memory_space<vmem>>, vector<16xf32>,
    %swap3A_30 = vector.shape_cast %swap3A_29 : vector<16xf32> to vector<16xf32>
    %swap3A_31 = vector.shape_cast %scan3A_7#5 : vector<16xf32> to vector<16xf32>
    tpu.vector_store %arg9[%swap3A_28], %swap3A_31 {strides = array<i32>} : memref<128xf32, #tpu.memory_space<vmem>>, vector<16xf32>,
    %swap3A_32 = arith.constant 96 : index
    %swap3A_33 = tpu.vector_load %arg9[%swap3A_32] {strides = array<i32>} : memref<128xf32, #tpu.memory_space<vmem>>, vector<16xf32>,
    %swap3A_34 = vector.shape_cast %swap3A_33 : vector<16xf32> to vector<16xf32>
    %swap3A_35 = vector.shape_cast %scan3A_7#6 : vector<16xf32> to vector<16xf32>
    tpu.vector_store %arg9[%swap3A_32], %swap3A_35 {strides = array<i32>} : memref<128xf32, #tpu.memory_space<vmem>>, vector<16xf32>,
    %swap3A_36 = arith.constant 112 : index
    %swap3A_37 = tpu.vector_load %arg9[%swap3A_36] {strides = array<i32>} : memref<128xf32, #tpu.memory_space<vmem>>, vector<16xf32>,
    %swap3A_38 = vector.shape_cast %swap3A_37 : vector<16xf32> to vector<16xf32>
    %swap3A_39 = vector.shape_cast %scan3A_7#7 : vector<16xf32> to vector<16xf32>
    tpu.vector_store %arg9[%swap3A_36], %swap3A_39 {strides = array<i32>} : memref<128xf32, #tpu.memory_space<vmem>>, vector<16xf32>,
    "tpu.region"() ({
      %run_scoped3A = tpu.sem_alloc : memref<!tpu.dma_semaphore, #tpu.memory_space<semaphore_mem>>
      %dma_start3A = arith.constant 0 : i32
      %dma_start3A_40 = tpu.memref_slice %arg3[%dma_start3A, %mul3A_2] : memref<2x16384xf32, #tpu.memory_space<hbm>> -> memref<2x512xf32, #tpu.memory_space<hbm>>
      %dma_start3A_41 = arith.constant 0 : i32
      %dma_start3A_42 = tpu.memref_slice %arg3[%dma_start3A_41, %mul3A_2] : memref<2x16384xf32, #tpu.memory_space<hbm>> -> memref<2x512xf32, #tpu.memory_space<hbm>>
      tpu.enqueue_dma source(%arg7 : memref<2x512xf32, #tpu.memory_space<vmem>>) target(%dma_start3A_42 : memref<2x512xf32, #tpu.memory_space<hbm>>) target_semaphore(%run_scoped3A : memref<!tpu.dma_semaphore, #tpu.memory_space<semaphore_mem>>)
      %dma_wait3A = arith.constant 0 : i32
      %dma_wait3A_43 = tpu.memref_slice %arg3[%dma_wait3A, %mul3A_2] : memref<2x16384xf32, #tpu.memory_space<hbm>> -> memref<2x512xf32, #tpu.memory_space<hbm>>
      %dma_wait3A_44 = arith.constant 0 : i32
      %dma_wait3A_45 = tpu.memref_slice %arg3[%dma_wait3A_44, %mul3A_2] : memref<2x16384xf32, #tpu.memory_space<hbm>> -> memref<2x512xf32, #tpu.memory_space<hbm>>
      tpu.wait_dma2 semaphore(%run_scoped3A : memref<!tpu.dma_semaphore, #tpu.memory_space<semaphore_mem>>) src(%arg7 : memref<2x512xf32, #tpu.memory_space<vmem>>) dst(%dma_wait3A_45 : memref<2x512xf32, #tpu.memory_space<hbm>>)
      tpu.yield
    }) : () -> ()
    "tpu.region"() ({
      %run_scoped3A = tpu.sem_alloc : memref<!tpu.dma_semaphore, #tpu.memory_space<semaphore_mem>>
      %dma_start3A = arith.constant 0 : i32
      %dma_start3A_40 = tpu.memref_slice %arg4[%dma_start3A, %mul3A_2] : memref<2x16384xi32, #tpu.memory_space<hbm>> -> memref<2x512xi32, #tpu.memory_space<hbm>>
      %dma_start3A_41 = arith.constant 0 : i32
      %dma_start3A_42 = tpu.memref_slice %arg4[%dma_start3A_41, %mul3A_2] : memref<2x16384xi32, #tpu.memory_space<hbm>> -> memref<2x512xi32, #tpu.memory_space<hbm>>
      tpu.enqueue_dma source(%arg8 : memref<2x512xi32, #tpu.memory_space<vmem>>) target(%dma_start3A_42 : memref<2x512xi32, #tpu.memory_space<hbm>>) target_semaphore(%run_scoped3A : memref<!tpu.dma_semaphore, #tpu.memory_space<semaphore_mem>>)
      %dma_wait3A = arith.constant 0 : i32
      %dma_wait3A_43 = tpu.memref_slice %arg4[%dma_wait3A, %mul3A_2] : memref<2x16384xi32, #tpu.memory_space<hbm>> -> memref<2x512xi32, #tpu.memory_space<hbm>>
      %dma_wait3A_44 = arith.constant 0 : i32
      %dma_wait3A_45 = tpu.memref_slice %arg4[%dma_wait3A_44, %mul3A_2] : memref<2x16384xi32, #tpu.memory_space<hbm>> -> memref<2x512xi32, #tpu.memory_space<hbm>>
      tpu.wait_dma2 semaphore(%run_scoped3A : memref<!tpu.dma_semaphore, #tpu.memory_space<semaphore_mem>>) src(%arg8 : memref<2x512xi32, #tpu.memory_space<vmem>>) dst(%dma_wait3A_45 : memref<2x512xi32, #tpu.memory_space<hbm>>)
      tpu.yield
    }) : () -> ()
    "tpu.region"() ({
      %run_scoped3A = tpu.sem_alloc : memref<!tpu.dma_semaphore, #tpu.memory_space<semaphore_mem>>
      %dma_start3A = arith.constant 0 : i32
      %dma_start3A_40 = tpu.memref_slice %arg5[%add3A, %dma_start3A] : memref<32x128xf32, #tpu.memory_space<hbm>> -> memref<1x128xf32, #tpu.memory_space<hbm>>
      %dma_start3A_41 = tpu.memref_squeeze %dma_start3A_40 : memref<1x128xf32, #tpu.memory_space<hbm>> -> memref<128xf32, #tpu.memory_space<hbm>>
      %dma_start3A_42 = arith.constant 0 : i32
      %dma_start3A_43 = tpu.memref_slice %arg5[%add3A, %dma_start3A_42] : memref<32x128xf32, #tpu.memory_space<hbm>> -> memref<1x128xf32, #tpu.memory_space<hbm>>
      %dma_start3A_44 = tpu.memref_squeeze %dma_start3A_43 : memref<1x128xf32, #tpu.memory_space<hbm>> -> memref<128xf32, #tpu.memory_space<hbm>>
      tpu.enqueue_dma source(%arg9 : memref<128xf32, #tpu.memory_space<vmem>>) target(%dma_start3A_44 : memref<128xf32, #tpu.memory_space<hbm>>) target_semaphore(%run_scoped3A : memref<!tpu.dma_semaphore, #tpu.memory_space<semaphore_mem>>)
      %dma_wait3A = arith.constant 0 : i32
      %dma_wait3A_45 = tpu.memref_slice %arg5[%add3A, %dma_wait3A] : memref<32x128xf32, #tpu.memory_space<hbm>> -> memref<1x128xf32, #tpu.memory_space<hbm>>
      %dma_wait3A_46 = tpu.memref_squeeze %dma_wait3A_45 : memref<1x128xf32, #tpu.memory_space<hbm>> -> memref<128xf32, #tpu.memory_space<hbm>>
      %dma_wait3A_47 = arith.constant 0 : i32
      %dma_wait3A_48 = tpu.memref_slice %arg5[%add3A, %dma_wait3A_47] : memref<32x128xf32, #tpu.memory_space<hbm>> -> memref<1x128xf32, #tpu.memory_space<hbm>>
      %dma_wait3A_49 = tpu.memref_squeeze %dma_wait3A_48 : memref<1x128xf32, #tpu.memory_space<hbm>> -> memref<128xf32, #tpu.memory_space<hbm>>
      tpu.wait_dma2 semaphore(%run_scoped3A : memref<!tpu.dma_semaphore, #tpu.memory_space<semaphore_mem>>) src(%arg9 : memref<128xf32, #tpu.memory_space<vmem>>) dst(%dma_wait3A_49 : memref<128xf32, #tpu.memory_space<hbm>>)
      tpu.yield
    }) : () -> ()
    return
  }
}

#map = affine_map<(d0, d1) -> (0, 0)>
module attributes {stable_mosaic.version = 14 : i64} {
  func.func @_sc_route(%arg0: i32, %arg1: i32, %arg2: memref<8x16384xf32, #tpu.memory_space<hbm>>, %arg3: memref<2x16384xf32, #tpu.memory_space<hbm>>, %arg4: memref<2x16384xi32, #tpu.memory_space<hbm>>, %arg5: memref<32x128xf32, #tpu.memory_space<hbm>>, %arg6: memref<8x512xf32, #tpu.memory_space<vmem>>, %arg7: memref<2x512xf32, #tpu.memory_space<vmem>>, %arg8: memref<2x512xi32, #tpu.memory_space<vmem>>, %arg9: memref<128xf32, #tpu.memory_space<vmem>>) attributes {dimension_semantics = [#tpu.dimension_semantics<core_parallel>, #tpu.dimension_semantics<subcore_parallel>], iteration_bounds = array<i64: 2, 16>, scalar_prefetch = 0 : i64, scratch_operands = 4 : i64, tpu.core_type = #tpu.core_type<sc_vector_subcore>, window_params = [{transform_indices = #map}, {transform_indices = #map}, {transform_indices = #map}, {transform_indices = #map}]} {
    %mul3A = arith.constant 2 : i32
    %mul3A_0 = arith.muli %arg1, %mul3A : i32
    %add3A = arith.addi %mul3A_0, %arg0 : i32
    %mul3A_1 = arith.constant 512 : i32
    %mul3A_2 = arith.muli %add3A, %mul3A_1 : i32
    "tpu.region"() ({
      %run_scoped3A = tpu.sem_alloc : memref<!tpu.dma_semaphore, #tpu.memory_space<semaphore_mem>>
      %dma_start3A = arith.constant 0 : i32
      %dma_start3A_40 = tpu.memref_slice %arg2[%dma_start3A, %mul3A_2] : memref<8x16384xf32, #tpu.memory_space<hbm>> -> memref<8x512xf32, #tpu.memory_space<hbm>>
      %dma_start3A_41 = arith.constant 0 : i32
      %dma_start3A_42 = tpu.memref_slice %arg2[%dma_start3A_41, %mul3A_2] : memref<8x16384xf32, #tpu.memory_space<hbm>> -> memref<8x512xf32, #tpu.memory_space<hbm>>
      tpu.enqueue_dma source(%dma_start3A_42 : memref<8x512xf32, #tpu.memory_space<hbm>>) target(%arg6 : memref<8x512xf32, #tpu.memory_space<vmem>>) target_semaphore(%run_scoped3A : memref<!tpu.dma_semaphore, #tpu.memory_space<semaphore_mem>>)
      %dma_wait3A = arith.constant 0 : i32
      %dma_wait3A_43 = tpu.memref_slice %arg2[%dma_wait3A, %mul3A_2] : memref<8x16384xf32, #tpu.memory_space<hbm>> -> memref<8x512xf32, #tpu.memory_space<hbm>>
      %dma_wait3A_44 = arith.constant 0 : i32
      %dma_wait3A_45 = tpu.memref_slice %arg2[%dma_wait3A_44, %mul3A_2] : memref<8x16384xf32, #tpu.memory_space<hbm>> -> memref<8x512xf32, #tpu.memory_space<hbm>>
      tpu.wait_dma2 semaphore(%run_scoped3A : memref<!tpu.dma_semaphore, #tpu.memory_space<semaphore_mem>>) src(%dma_wait3A_45 : memref<8x512xf32, #tpu.memory_space<hbm>>) dst(%arg6 : memref<8x512xf32, #tpu.memory_space<vmem>>)
      tpu.yield
    }) : () -> ()
    %broadcast_in_dim3A = arith.constant 0.000000e+00 : f32
    %broadcast_in_dim3A_3 = vector.broadcast %broadcast_in_dim3A : f32 to vector<16xf32>
    %scan3A = arith.constant 0 : i32
    %scan3A_4 = arith.constant 32 : i32
    %scan3A_5 = arith.addi %scan3A, %scan3A_4 : i32
    %scan3A_6 = arith.constant 1 : i32
    %scan3A_7:8 = scf.for %scan3A_40 = %scan3A to %scan3A_5 step %scan3A_6 iter_args(%scan3A_41 = %broadcast_in_dim3A_3, %scan3A_42 = %broadcast_in_dim3A_3, %scan3A_43 = %broadcast_in_dim3A_3, %scan3A_44 = %broadcast_in_dim3A_3, %scan3A_45 = %broadcast_in_dim3A_3, %scan3A_46 = %broadcast_in_dim3A_3, %scan3A_47 = %broadcast_in_dim3A_3, %scan3A_48 = %broadcast_in_dim3A_3) -> (vector<16xf32>, vector<16xf32>, vector<16xf32>, vector<16xf32>, vector<16xf32>, vector<16xf32>, vector<16xf32>, vector<16xf32>)  : i32 {
      %mul3A_49 = arith.constant 16 : i32
      %mul3A_50 = arith.muli %scan3A_40, %mul3A_49 : i32
      %get3A = arith.constant 0 : i32
      %get3A_51 = arith.index_cast %get3A : i32 to index
      %get3A_52 = arith.index_cast %mul3A_50 : i32 to index
      %get3A_53 = tpu.vector_load %arg6[%get3A_51, %get3A_52] {strides = array<i32>} : memref<8x512xf32, #tpu.memory_space<vmem>>, vector<1x16xf32>,
      %get3A_54 = vector.shape_cast %get3A_53 : vector<1x16xf32> to vector<16xf32>
      %get3A_55 = arith.constant 1 : i32
      %get3A_56 = arith.index_cast %get3A_55 : i32 to index
      %get3A_57 = arith.index_cast %mul3A_50 : i32 to index
      %get3A_58 = tpu.vector_load %arg6[%get3A_56, %get3A_57] {strides = array<i32>} : memref<8x512xf32, #tpu.memory_space<vmem>>, vector<1x16xf32>,
      %get3A_59 = vector.shape_cast %get3A_58 : vector<1x16xf32> to vector<16xf32>
      %get3A_60 = arith.constant 2 : i32
      %get3A_61 = arith.index_cast %get3A_60 : i32 to index
      %get3A_62 = arith.index_cast %mul3A_50 : i32 to index
      %get3A_63 = tpu.vector_load %arg6[%get3A_61, %get3A_62] {strides = array<i32>} : memref<8x512xf32, #tpu.memory_space<vmem>>, vector<1x16xf32>,
      %get3A_64 = vector.shape_cast %get3A_63 : vector<1x16xf32> to vector<16xf32>
      %get3A_65 = arith.constant 3 : i32
      %get3A_66 = arith.index_cast %get3A_65 : i32 to index
      %get3A_67 = arith.index_cast %mul3A_50 : i32 to index
      %get3A_68 = tpu.vector_load %arg6[%get3A_66, %get3A_67] {strides = array<i32>} : memref<8x512xf32, #tpu.memory_space<vmem>>, vector<1x16xf32>,
      %get3A_69 = vector.shape_cast %get3A_68 : vector<1x16xf32> to vector<16xf32>
      %get3A_70 = arith.constant 4 : i32
      %get3A_71 = arith.index_cast %get3A_70 : i32 to index
      %get3A_72 = arith.index_cast %mul3A_50 : i32 to index
      %get3A_73 = tpu.vector_load %arg6[%get3A_71, %get3A_72] {strides = array<i32>} : memref<8x512xf32, #tpu.memory_space<vmem>>, vector<1x16xf32>,
      %get3A_74 = vector.shape_cast %get3A_73 : vector<1x16xf32> to vector<16xf32>
      %get3A_75 = arith.constant 5 : i32
      %get3A_76 = arith.index_cast %get3A_75 : i32 to index
      %get3A_77 = arith.index_cast %mul3A_50 : i32 to index
      %get3A_78 = tpu.vector_load %arg6[%get3A_76, %get3A_77] {strides = array<i32>} : memref<8x512xf32, #tpu.memory_space<vmem>>, vector<1x16xf32>,
      %get3A_79 = vector.shape_cast %get3A_78 : vector<1x16xf32> to vector<16xf32>
      %get3A_80 = arith.constant 6 : i32
      %get3A_81 = arith.index_cast %get3A_80 : i32 to index
      %get3A_82 = arith.index_cast %mul3A_50 : i32 to index
      %get3A_83 = tpu.vector_load %arg6[%get3A_81, %get3A_82] {strides = array<i32>} : memref<8x512xf32, #tpu.memory_space<vmem>>, vector<1x16xf32>,
      %get3A_84 = vector.shape_cast %get3A_83 : vector<1x16xf32> to vector<16xf32>
      %get3A_85 = arith.constant 7 : i32
      %get3A_86 = arith.index_cast %get3A_85 : i32 to index
      %get3A_87 = arith.index_cast %mul3A_50 : i32 to index
      %get3A_88 = tpu.vector_load %arg6[%get3A_86, %get3A_87] {strides = array<i32>} : memref<8x512xf32, #tpu.memory_space<vmem>>, vector<1x16xf32>,
      %get3A_89 = vector.shape_cast %get3A_88 : vector<1x16xf32> to vector<16xf32>
      %max3A = arith.maximumf %get3A_54, %get3A_59 : vector<16xf32>
      %max3A_90 = arith.maximumf %max3A, %get3A_64 : vector<16xf32>
      %max3A_91 = arith.maximumf %max3A_90, %get3A_69 : vector<16xf32>
      %max3A_92 = arith.maximumf %max3A_91, %get3A_74 : vector<16xf32>
      %max3A_93 = arith.maximumf %max3A_92, %get3A_79 : vector<16xf32>
      %max3A_94 = arith.maximumf %max3A_93, %get3A_84 : vector<16xf32>
      %max3A_95 = arith.maximumf %max3A_94, %get3A_89 : vector<16xf32>
      %broadcast_in_dim3A_96 = arith.constant 8 : i32
      %broadcast_in_dim3A_97 = vector.broadcast %broadcast_in_dim3A_96 : i32 to vector<16xi32>
      %eq3A = arith.cmpf oeq, %get3A_89, %max3A_95 : vector<16xf32>
      %jit3A = arith.constant 7 : i32
      %broadcast_in_dim3A_98 = vector.broadcast %jit3A : i32 to vector<16xi32>
      %select_n3A = arith.select %eq3A, %broadcast_in_dim3A_98, %broadcast_in_dim3A_97 : vector<16xi1>, vector<16xi32>
      %eq3A_99 = arith.cmpf oeq, %get3A_84, %max3A_95 : vector<16xf32>
      %jit3A_100 = arith.constant 6 : i32
      %broadcast_in_dim3A_101 = vector.broadcast %jit3A_100 : i32 to vector<16xi32>
      %select_n3A_102 = arith.select %eq3A_99, %broadcast_in_dim3A_101, %select_n3A : vector<16xi1>, vector<16xi32>
      %eq3A_103 = arith.cmpf oeq, %get3A_79, %max3A_95 : vector<16xf32>
      %jit3A_104 = arith.constant 5 : i32
      %broadcast_in_dim3A_105 = vector.broadcast %jit3A_104 : i32 to vector<16xi32>
      %select_n3A_106 = arith.select %eq3A_103, %broadcast_in_dim3A_105, %select_n3A_102 : vector<16xi1>, vector<16xi32>
      %eq3A_107 = arith.cmpf oeq, %get3A_74, %max3A_95 : vector<16xf32>
      %jit3A_108 = arith.constant 4 : i32
      %broadcast_in_dim3A_109 = vector.broadcast %jit3A_108 : i32 to vector<16xi32>
      %select_n3A_110 = arith.select %eq3A_107, %broadcast_in_dim3A_109, %select_n3A_106 : vector<16xi1>, vector<16xi32>
      %eq3A_111 = arith.cmpf oeq, %get3A_69, %max3A_95 : vector<16xf32>
      %jit3A_112 = arith.constant 3 : i32
      %broadcast_in_dim3A_113 = vector.broadcast %jit3A_112 : i32 to vector<16xi32>
      %select_n3A_114 = arith.select %eq3A_111, %broadcast_in_dim3A_113, %select_n3A_110 : vector<16xi1>, vector<16xi32>
      %eq3A_115 = arith.cmpf oeq, %get3A_64, %max3A_95 : vector<16xf32>
      %jit3A_116 = arith.constant 2 : i32
      %broadcast_in_dim3A_117 = vector.broadcast %jit3A_116 : i32 to vector<16xi32>
      %select_n3A_118 = arith.select %eq3A_115, %broadcast_in_dim3A_117, %select_n3A_114 : vector<16xi1>, vector<16xi32>
      %eq3A_119 = arith.cmpf oeq, %get3A_59, %max3A_95 : vector<16xf32>
      %jit3A_120 = arith.constant 1 : i32
      %broadcast_in_dim3A_121 = vector.broadcast %jit3A_120 : i32 to vector<16xi32>
      %select_n3A_122 = arith.select %eq3A_119, %broadcast_in_dim3A_121, %select_n3A_118 : vector<16xi1>, vector<16xi32>
      %eq3A_123 = arith.cmpf oeq, %get3A_54, %max3A_95 : vector<16xf32>
      %jit3A_124 = arith.constant 0 : i32
      %broadcast_in_dim3A_125 = vector.broadcast %jit3A_124 : i32 to vector<16xi32>
      %select_n3A_126 = arith.select %eq3A_123, %broadcast_in_dim3A_125, %select_n3A_122 : vector<16xi1>, vector<16xi32>
      %eq3A_127 = arith.constant 0 : i32
      %eq3A_128 = vector.broadcast %eq3A_127 : i32 to vector<16xi32>
      %eq3A_129 = arith.cmpi eq, %select_n3A_126, %eq3A_128 : vector<16xi32>
      %jit3A_130 = arith.constant -3.000000e+38 : f32
      %broadcast_in_dim3A_131 = vector.broadcast %jit3A_130 : f32 to vector<16xf32>
      %select_n3A_132 = arith.select %eq3A_129, %broadcast_in_dim3A_131, %get3A_54 : vector<16xi1>, vector<16xf32>
      %eq3A_133 = arith.constant 1 : i32
      %eq3A_134 = vector.broadcast %eq3A_133 : i32 to vector<16xi32>
      %eq3A_135 = arith.cmpi eq, %select_n3A_126, %eq3A_134 : vector<16xi32>
      %jit3A_136 = arith.constant -3.000000e+38 : f32
      %broadcast_in_dim3A_137 = vector.broadcast %jit3A_136 : f32 to vector<16xf32>
      %select_n3A_138 = arith.select %eq3A_135, %broadcast_in_dim3A_137, %get3A_59 : vector<16xi1>, vector<16xf32>
      %max3A_139 = arith.maximumf %select_n3A_132, %select_n3A_138 : vector<16xf32>
      %eq3A_140 = arith.constant 2 : i32
      %eq3A_141 = vector.broadcast %eq3A_140 : i32 to vector<16xi32>
      %eq3A_142 = arith.cmpi eq, %select_n3A_126, %eq3A_141 : vector<16xi32>
      %jit3A_143 = arith.constant -3.000000e+38 : f32
      %broadcast_in_dim3A_144 = vector.broadcast %jit3A_143 : f32 to vector<16xf32>
      %select_n3A_145 = arith.select %eq3A_142, %broadcast_in_dim3A_144, %get3A_64 : vector<16xi1>, vector<16xf32>
      %max3A_146 = arith.maximumf %max3A_139, %select_n3A_145 : vector<16xf32>
      %eq3A_147 = arith.constant 3 : i32
      %eq3A_148 = vector.broadcast %eq3A_147 : i32 to vector<16xi32>
      %eq3A_149 = arith.cmpi eq, %select_n3A_126, %eq3A_148 : vector<16xi32>
      %jit3A_150 = arith.constant -3.000000e+38 : f32
      %broadcast_in_dim3A_151 = vector.broadcast %jit3A_150 : f32 to vector<16xf32>
      %select_n3A_152 = arith.select %eq3A_149, %broadcast_in_dim3A_151, %get3A_69 : vector<16xi1>, vector<16xf32>
      %max3A_153 = arith.maximumf %max3A_146, %select_n3A_152 : vector<16xf32>
      %eq3A_154 = arith.constant 4 : i32
      %eq3A_155 = vector.broadcast %eq3A_154 : i32 to vector<16xi32>
      %eq3A_156 = arith.cmpi eq, %select_n3A_126, %eq3A_155 : vector<16xi32>
      %jit3A_157 = arith.constant -3.000000e+38 : f32
      %broadcast_in_dim3A_158 = vector.broadcast %jit3A_157 : f32 to vector<16xf32>
      %select_n3A_159 = arith.select %eq3A_156, %broadcast_in_dim3A_158, %get3A_74 : vector<16xi1>, vector<16xf32>
      %max3A_160 = arith.maximumf %max3A_153, %select_n3A_159 : vector<16xf32>
      %eq3A_161 = arith.constant 5 : i32
      %eq3A_162 = vector.broadcast %eq3A_161 : i32 to vector<16xi32>
      %eq3A_163 = arith.cmpi eq, %select_n3A_126, %eq3A_162 : vector<16xi32>
      %jit3A_164 = arith.constant -3.000000e+38 : f32
      %broadcast_in_dim3A_165 = vector.broadcast %jit3A_164 : f32 to vector<16xf32>
      %select_n3A_166 = arith.select %eq3A_163, %broadcast_in_dim3A_165, %get3A_79 : vector<16xi1>, vector<16xf32>
      %max3A_167 = arith.maximumf %max3A_160, %select_n3A_166 : vector<16xf32>
      %eq3A_168 = arith.constant 6 : i32
      %eq3A_169 = vector.broadcast %eq3A_168 : i32 to vector<16xi32>
      %eq3A_170 = arith.cmpi eq, %select_n3A_126, %eq3A_169 : vector<16xi32>
      %jit3A_171 = arith.constant -3.000000e+38 : f32
      %broadcast_in_dim3A_172 = vector.broadcast %jit3A_171 : f32 to vector<16xf32>
      %select_n3A_173 = arith.select %eq3A_170, %broadcast_in_dim3A_172, %get3A_84 : vector<16xi1>, vector<16xf32>
      %max3A_174 = arith.maximumf %max3A_167, %select_n3A_173 : vector<16xf32>
      %eq3A_175 = arith.constant 7 : i32
      %eq3A_176 = vector.broadcast %eq3A_175 : i32 to vector<16xi32>
      %eq3A_177 = arith.cmpi eq, %select_n3A_126, %eq3A_176 : vector<16xi32>
      %jit3A_178 = arith.constant -3.000000e+38 : f32
      %broadcast_in_dim3A_179 = vector.broadcast %jit3A_178 : f32 to vector<16xf32>
      %select_n3A_180 = arith.select %eq3A_177, %broadcast_in_dim3A_179, %get3A_89 : vector<16xi1>, vector<16xf32>
      %max3A_181 = arith.maximumf %max3A_174, %select_n3A_180 : vector<16xf32>
      %eq3A_182 = arith.cmpf oeq, %get3A_89, %max3A_181 : vector<16xf32>
      %ne3A = arith.constant 7 : i32
      %ne3A_183 = vector.broadcast %ne3A : i32 to vector<16xi32>
      %ne3A_184 = arith.cmpi ne, %select_n3A_126, %ne3A_183 : vector<16xi32>
      %and3A = arith.andi %eq3A_182, %ne3A_184 : vector<16xi1>
      %jit3A_185 = arith.constant 7 : i32
      %broadcast_in_dim3A_186 = vector.broadcast %jit3A_185 : i32 to vector<16xi32>
      %select_n3A_187 = arith.select %and3A, %broadcast_in_dim3A_186, %broadcast_in_dim3A_97 : vector<16xi1>, vector<16xi32>
      %eq3A_188 = arith.cmpf oeq, %get3A_84, %max3A_181 : vector<16xf32>
      %ne3A_189 = arith.constant 6 : i32
      %ne3A_190 = vector.broadcast %ne3A_189 : i32 to vector<16xi32>
      %ne3A_191 = arith.cmpi ne, %select_n3A_126, %ne3A_190 : vector<16xi32>
      %and3A_192 = arith.andi %eq3A_188, %ne3A_191 : vector<16xi1>
      %jit3A_193 = arith.constant 6 : i32
      %broadcast_in_dim3A_194 = vector.broadcast %jit3A_193 : i32 to vector<16xi32>
      %select_n3A_195 = arith.select %and3A_192, %broadcast_in_dim3A_194, %select_n3A_187 : vector<16xi1>, vector<16xi32>
      %eq3A_196 = arith.cmpf oeq, %get3A_79, %max3A_181 : vector<16xf32>
      %ne3A_197 = arith.constant 5 : i32
      %ne3A_198 = vector.broadcast %ne3A_197 : i32 to vector<16xi32>
      %ne3A_199 = arith.cmpi ne, %select_n3A_126, %ne3A_198 : vector<16xi32>
      %and3A_200 = arith.andi %eq3A_196, %ne3A_199 : vector<16xi1>
      %jit3A_201 = arith.constant 5 : i32
      %broadcast_in_dim3A_202 = vector.broadcast %jit3A_201 : i32 to vector<16xi32>
      %select_n3A_203 = arith.select %and3A_200, %broadcast_in_dim3A_202, %select_n3A_195 : vector<16xi1>, vector<16xi32>
      %eq3A_204 = arith.cmpf oeq, %get3A_74, %max3A_181 : vector<16xf32>
      %ne3A_205 = arith.constant 4 : i32
      %ne3A_206 = vector.broadcast %ne3A_205 : i32 to vector<16xi32>
      %ne3A_207 = arith.cmpi ne, %select_n3A_126, %ne3A_206 : vector<16xi32>
      %and3A_208 = arith.andi %eq3A_204, %ne3A_207 : vector<16xi1>
      %jit3A_209 = arith.constant 4 : i32
      %broadcast_in_dim3A_210 = vector.broadcast %jit3A_209 : i32 to vector<16xi32>
      %select_n3A_211 = arith.select %and3A_208, %broadcast_in_dim3A_210, %select_n3A_203 : vector<16xi1>, vector<16xi32>
      %eq3A_212 = arith.cmpf oeq, %get3A_69, %max3A_181 : vector<16xf32>
      %ne3A_213 = arith.constant 3 : i32
      %ne3A_214 = vector.broadcast %ne3A_213 : i32 to vector<16xi32>
      %ne3A_215 = arith.cmpi ne, %select_n3A_126, %ne3A_214 : vector<16xi32>
      %and3A_216 = arith.andi %eq3A_212, %ne3A_215 : vector<16xi1>
      %jit3A_217 = arith.constant 3 : i32
      %broadcast_in_dim3A_218 = vector.broadcast %jit3A_217 : i32 to vector<16xi32>
      %select_n3A_219 = arith.select %and3A_216, %broadcast_in_dim3A_218, %select_n3A_211 : vector<16xi1>, vector<16xi32>
      %eq3A_220 = arith.cmpf oeq, %get3A_64, %max3A_181 : vector<16xf32>
      %ne3A_221 = arith.constant 2 : i32
      %ne3A_222 = vector.broadcast %ne3A_221 : i32 to vector<16xi32>
      %ne3A_223 = arith.cmpi ne, %select_n3A_126, %ne3A_222 : vector<16xi32>
      %and3A_224 = arith.andi %eq3A_220, %ne3A_223 : vector<16xi1>
      %jit3A_225 = arith.constant 2 : i32
      %broadcast_in_dim3A_226 = vector.broadcast %jit3A_225 : i32 to vector<16xi32>
      %select_n3A_227 = arith.select %and3A_224, %broadcast_in_dim3A_226, %select_n3A_219 : vector<16xi1>, vector<16xi32>
      %eq3A_228 = arith.cmpf oeq, %get3A_59, %max3A_181 : vector<16xf32>
      %ne3A_229 = arith.constant 1 : i32
      %ne3A_230 = vector.broadcast %ne3A_229 : i32 to vector<16xi32>
      %ne3A_231 = arith.cmpi ne, %select_n3A_126, %ne3A_230 : vector<16xi32>
      %and3A_232 = arith.andi %eq3A_228, %ne3A_231 : vector<16xi1>
      %jit3A_233 = arith.constant 1 : i32
      %broadcast_in_dim3A_234 = vector.broadcast %jit3A_233 : i32 to vector<16xi32>
      %select_n3A_235 = arith.select %and3A_232, %broadcast_in_dim3A_234, %select_n3A_227 : vector<16xi1>, vector<16xi32>
      %eq3A_236 = arith.cmpf oeq, %get3A_54, %max3A_181 : vector<16xf32>
      %ne3A_237 = arith.constant 0 : i32
      %ne3A_238 = vector.broadcast %ne3A_237 : i32 to vector<16xi32>
      %ne3A_239 = arith.cmpi ne, %select_n3A_126, %ne3A_238 : vector<16xi32>
      %and3A_240 = arith.andi %eq3A_236, %ne3A_239 : vector<16xi1>
      %jit3A_241 = arith.constant 0 : i32
      %broadcast_in_dim3A_242 = vector.broadcast %jit3A_241 : i32 to vector<16xi32>
      %select_n3A_243 = arith.select %and3A_240, %broadcast_in_dim3A_242, %select_n3A_235 : vector<16xi1>, vector<16xi32>
      %sub3A = arith.subf %get3A_54, %max3A_95 : vector<16xf32>
      %exp3A = math.exp %sub3A : vector<16xf32>
      %sub3A_244 = arith.subf %get3A_59, %max3A_95 : vector<16xf32>
      %exp3A_245 = math.exp %sub3A_244 : vector<16xf32>
      %add3A_246 = arith.addf %exp3A, %exp3A_245 : vector<16xf32>
      %sub3A_247 = arith.subf %get3A_64, %max3A_95 : vector<16xf32>
      %exp3A_248 = math.exp %sub3A_247 : vector<16xf32>
      %add3A_249 = arith.addf %add3A_246, %exp3A_248 : vector<16xf32>
      %sub3A_250 = arith.subf %get3A_69, %max3A_95 : vector<16xf32>
      %exp3A_251 = math.exp %sub3A_250 : vector<16xf32>
      %add3A_252 = arith.addf %add3A_249, %exp3A_251 : vector<16xf32>
      %sub3A_253 = arith.subf %get3A_74, %max3A_95 : vector<16xf32>
      %exp3A_254 = math.exp %sub3A_253 : vector<16xf32>
      %add3A_255 = arith.addf %add3A_252, %exp3A_254 : vector<16xf32>
      %sub3A_256 = arith.subf %get3A_79, %max3A_95 : vector<16xf32>
      %exp3A_257 = math.exp %sub3A_256 : vector<16xf32>
      %add3A_258 = arith.addf %add3A_255, %exp3A_257 : vector<16xf32>
      %sub3A_259 = arith.subf %get3A_84, %max3A_95 : vector<16xf32>
      %exp3A_260 = math.exp %sub3A_259 : vector<16xf32>
      %add3A_261 = arith.addf %add3A_258, %exp3A_260 : vector<16xf32>
      %sub3A_262 = arith.subf %get3A_89, %max3A_95 : vector<16xf32>
      %exp3A_263 = math.exp %sub3A_262 : vector<16xf32>
      %add3A_264 = arith.addf %add3A_261, %exp3A_263 : vector<16xf32>
      %div3A = arith.constant 1.000000e+00 : f32
      %div3A_265 = vector.broadcast %div3A : f32 to vector<16xf32>
      %div3A_266 = arith.divf %div3A_265, %add3A_264 : vector<16xf32>
      %swap3A_267 = arith.constant 0 : i32
      %swap3A_268 = arith.index_cast %swap3A_267 : i32 to index
      %swap3A_269 = arith.index_cast %mul3A_50 : i32 to index
      %swap3A_270 = tpu.vector_load %arg7[%swap3A_268, %swap3A_269] {strides = array<i32>} : memref<2x512xf32, #tpu.memory_space<vmem>>, vector<1x16xf32>,
      %swap3A_271 = vector.shape_cast %swap3A_270 : vector<1x16xf32> to vector<16xf32>
      %swap3A_272 = vector.shape_cast %div3A_266 : vector<16xf32> to vector<1x16xf32>
      tpu.vector_store %arg7[%swap3A_268, %swap3A_269], %swap3A_272 {strides = array<i32>} : memref<2x512xf32, #tpu.memory_space<vmem>>, vector<1x16xf32>,
      %sub3A_273 = arith.subf %max3A_181, %max3A_95 : vector<16xf32>
      %exp3A_274 = math.exp %sub3A_273 : vector<16xf32>
      %mul3A_275 = arith.mulf %exp3A_274, %div3A_266 : vector<16xf32>
      %swap3A_276 = arith.constant 1 : i32
      %swap3A_277 = arith.index_cast %swap3A_276 : i32 to index
      %swap3A_278 = arith.index_cast %mul3A_50 : i32 to index
      %swap3A_279 = tpu.vector_load %arg7[%swap3A_277, %swap3A_278] {strides = array<i32>} : memref<2x512xf32, #tpu.memory_space<vmem>>, vector<1x16xf32>,
      %swap3A_280 = vector.shape_cast %swap3A_279 : vector<1x16xf32> to vector<16xf32>
      %swap3A_281 = vector.shape_cast %mul3A_275 : vector<16xf32> to vector<1x16xf32>
      tpu.vector_store %arg7[%swap3A_277, %swap3A_278], %swap3A_281 {strides = array<i32>} : memref<2x512xf32, #tpu.memory_space<vmem>>, vector<1x16xf32>,
      %swap3A_282 = arith.constant 0 : i32
      %swap3A_283 = arith.index_cast %swap3A_282 : i32 to index
      %swap3A_284 = arith.index_cast %mul3A_50 : i32 to index
      %swap3A_285 = tpu.vector_load %arg8[%swap3A_283, %swap3A_284] {strides = array<i32>} : memref<2x512xi32, #tpu.memory_space<vmem>>, vector<1x16xi32>,
      %swap3A_286 = vector.shape_cast %swap3A_285 : vector<1x16xi32> to vector<16xi32>
      %swap3A_287 = vector.shape_cast %select_n3A_126 : vector<16xi32> to vector<1x16xi32>
      tpu.vector_store %arg8[%swap3A_283, %swap3A_284], %swap3A_287 {strides = array<i32>} : memref<2x512xi32, #tpu.memory_space<vmem>>, vector<1x16xi32>,
      %swap3A_288 = arith.constant 1 : i32
      %swap3A_289 = arith.index_cast %swap3A_288 : i32 to index
      %swap3A_290 = arith.index_cast %mul3A_50 : i32 to index
      %swap3A_291 = tpu.vector_load %arg8[%swap3A_289, %swap3A_290] {strides = array<i32>} : memref<2x512xi32, #tpu.memory_space<vmem>>, vector<1x16xi32>,
      %swap3A_292 = vector.shape_cast %swap3A_291 : vector<1x16xi32> to vector<16xi32>
      %swap3A_293 = vector.shape_cast %select_n3A_243 : vector<16xi32> to vector<1x16xi32>
      tpu.vector_store %arg8[%swap3A_289, %swap3A_290], %swap3A_293 {strides = array<i32>} : memref<2x512xi32, #tpu.memory_space<vmem>>, vector<1x16xi32>,
      %eq3A_294 = arith.constant 0 : i32
      %eq3A_295 = vector.broadcast %eq3A_294 : i32 to vector<16xi32>
      %eq3A_296 = arith.cmpi eq, %select_n3A_126, %eq3A_295 : vector<16xi32>
      %jit3A_297 = arith.constant 1.000000e+00 : f32
      %jit3A_298 = arith.constant 0.000000e+00 : f32
      %broadcast_in_dim3A_299 = vector.broadcast %jit3A_297 : f32 to vector<16xf32>
      %broadcast_in_dim3A_300 = vector.broadcast %jit3A_298 : f32 to vector<16xf32>
      %select_n3A_301 = arith.select %eq3A_296, %broadcast_in_dim3A_299, %broadcast_in_dim3A_300 : vector<16xi1>, vector<16xf32>
      %eq3A_302 = arith.constant 0 : i32
      %eq3A_303 = vector.broadcast %eq3A_302 : i32 to vector<16xi32>
      %eq3A_304 = arith.cmpi eq, %select_n3A_243, %eq3A_303 : vector<16xi32>
      %jit3A_305 = arith.constant 1.000000e+00 : f32
      %jit3A_306 = arith.constant 0.000000e+00 : f32
      %broadcast_in_dim3A_307 = vector.broadcast %jit3A_305 : f32 to vector<16xf32>
      %broadcast_in_dim3A_308 = vector.broadcast %jit3A_306 : f32 to vector<16xf32>
      %select_n3A_309 = arith.select %eq3A_304, %broadcast_in_dim3A_307, %broadcast_in_dim3A_308 : vector<16xi1>, vector<16xf32>
      %add3A_310 = arith.addf %select_n3A_301, %select_n3A_309 : vector<16xf32>
      %add3A_311 = arith.addf %scan3A_41, %add3A_310 : vector<16xf32>
      %eq3A_312 = arith.constant 1 : i32
      %eq3A_313 = vector.broadcast %eq3A_312 : i32 to vector<16xi32>
      %eq3A_314 = arith.cmpi eq, %select_n3A_126, %eq3A_313 : vector<16xi32>
      %jit3A_315 = arith.constant 1.000000e+00 : f32
      %jit3A_316 = arith.constant 0.000000e+00 : f32
      %broadcast_in_dim3A_317 = vector.broadcast %jit3A_315 : f32 to vector<16xf32>
      %broadcast_in_dim3A_318 = vector.broadcast %jit3A_316 : f32 to vector<16xf32>
      %select_n3A_319 = arith.select %eq3A_314, %broadcast_in_dim3A_317, %broadcast_in_dim3A_318 : vector<16xi1>, vector<16xf32>
      %eq3A_320 = arith.constant 1 : i32
      %eq3A_321 = vector.broadcast %eq3A_320 : i32 to vector<16xi32>
      %eq3A_322 = arith.cmpi eq, %select_n3A_243, %eq3A_321 : vector<16xi32>
      %jit3A_323 = arith.constant 1.000000e+00 : f32
      %jit3A_324 = arith.constant 0.000000e+00 : f32
      %broadcast_in_dim3A_325 = vector.broadcast %jit3A_323 : f32 to vector<16xf32>
      %broadcast_in_dim3A_326 = vector.broadcast %jit3A_324 : f32 to vector<16xf32>
      %select_n3A_327 = arith.select %eq3A_322, %broadcast_in_dim3A_325, %broadcast_in_dim3A_326 : vector<16xi1>, vector<16xf32>
      %add3A_328 = arith.addf %select_n3A_319, %select_n3A_327 : vector<16xf32>
      %add3A_329 = arith.addf %scan3A_42, %add3A_328 : vector<16xf32>
      %eq3A_330 = arith.constant 2 : i32
      %eq3A_331 = vector.broadcast %eq3A_330 : i32 to vector<16xi32>
      %eq3A_332 = arith.cmpi eq, %select_n3A_126, %eq3A_331 : vector<16xi32>
      %jit3A_333 = arith.constant 1.000000e+00 : f32
      %jit3A_334 = arith.constant 0.000000e+00 : f32
      %broadcast_in_dim3A_335 = vector.broadcast %jit3A_333 : f32 to vector<16xf32>
      %broadcast_in_dim3A_336 = vector.broadcast %jit3A_334 : f32 to vector<16xf32>
      %select_n3A_337 = arith.select %eq3A_332, %broadcast_in_dim3A_335, %broadcast_in_dim3A_336 : vector<16xi1>, vector<16xf32>
      %eq3A_338 = arith.constant 2 : i32
      %eq3A_339 = vector.broadcast %eq3A_338 : i32 to vector<16xi32>
      %eq3A_340 = arith.cmpi eq, %select_n3A_243, %eq3A_339 : vector<16xi32>
      %jit3A_341 = arith.constant 1.000000e+00 : f32
      %jit3A_342 = arith.constant 0.000000e+00 : f32
      %broadcast_in_dim3A_343 = vector.broadcast %jit3A_341 : f32 to vector<16xf32>
      %broadcast_in_dim3A_344 = vector.broadcast %jit3A_342 : f32 to vector<16xf32>
      %select_n3A_345 = arith.select %eq3A_340, %broadcast_in_dim3A_343, %broadcast_in_dim3A_344 : vector<16xi1>, vector<16xf32>
      %add3A_346 = arith.addf %select_n3A_337, %select_n3A_345 : vector<16xf32>
      %add3A_347 = arith.addf %scan3A_43, %add3A_346 : vector<16xf32>
      %eq3A_348 = arith.constant 3 : i32
      %eq3A_349 = vector.broadcast %eq3A_348 : i32 to vector<16xi32>
      %eq3A_350 = arith.cmpi eq, %select_n3A_126, %eq3A_349 : vector<16xi32>
      %jit3A_351 = arith.constant 1.000000e+00 : f32
      %jit3A_352 = arith.constant 0.000000e+00 : f32
      %broadcast_in_dim3A_353 = vector.broadcast %jit3A_351 : f32 to vector<16xf32>
      %broadcast_in_dim3A_354 = vector.broadcast %jit3A_352 : f32 to vector<16xf32>
      %select_n3A_355 = arith.select %eq3A_350, %broadcast_in_dim3A_353, %broadcast_in_dim3A_354 : vector<16xi1>, vector<16xf32>
      %eq3A_356 = arith.constant 3 : i32
      %eq3A_357 = vector.broadcast %eq3A_356 : i32 to vector<16xi32>
      %eq3A_358 = arith.cmpi eq, %select_n3A_243, %eq3A_357 : vector<16xi32>
      %jit3A_359 = arith.constant 1.000000e+00 : f32
      %jit3A_360 = arith.constant 0.000000e+00 : f32
      %broadcast_in_dim3A_361 = vector.broadcast %jit3A_359 : f32 to vector<16xf32>
      %broadcast_in_dim3A_362 = vector.broadcast %jit3A_360 : f32 to vector<16xf32>
      %select_n3A_363 = arith.select %eq3A_358, %broadcast_in_dim3A_361, %broadcast_in_dim3A_362 : vector<16xi1>, vector<16xf32>
      %add3A_364 = arith.addf %select_n3A_355, %select_n3A_363 : vector<16xf32>
      %add3A_365 = arith.addf %scan3A_44, %add3A_364 : vector<16xf32>
      %eq3A_366 = arith.constant 4 : i32
      %eq3A_367 = vector.broadcast %eq3A_366 : i32 to vector<16xi32>
      %eq3A_368 = arith.cmpi eq, %select_n3A_126, %eq3A_367 : vector<16xi32>
      %jit3A_369 = arith.constant 1.000000e+00 : f32
      %jit3A_370 = arith.constant 0.000000e+00 : f32
      %broadcast_in_dim3A_371 = vector.broadcast %jit3A_369 : f32 to vector<16xf32>
      %broadcast_in_dim3A_372 = vector.broadcast %jit3A_370 : f32 to vector<16xf32>
      %select_n3A_373 = arith.select %eq3A_368, %broadcast_in_dim3A_371, %broadcast_in_dim3A_372 : vector<16xi1>, vector<16xf32>
      %eq3A_374 = arith.constant 4 : i32
      %eq3A_375 = vector.broadcast %eq3A_374 : i32 to vector<16xi32>
      %eq3A_376 = arith.cmpi eq, %select_n3A_243, %eq3A_375 : vector<16xi32>
      %jit3A_377 = arith.constant 1.000000e+00 : f32
      %jit3A_378 = arith.constant 0.000000e+00 : f32
      %broadcast_in_dim3A_379 = vector.broadcast %jit3A_377 : f32 to vector<16xf32>
      %broadcast_in_dim3A_380 = vector.broadcast %jit3A_378 : f32 to vector<16xf32>
      %select_n3A_381 = arith.select %eq3A_376, %broadcast_in_dim3A_379, %broadcast_in_dim3A_380 : vector<16xi1>, vector<16xf32>
      %add3A_382 = arith.addf %select_n3A_373, %select_n3A_381 : vector<16xf32>
      %add3A_383 = arith.addf %scan3A_45, %add3A_382 : vector<16xf32>
      %eq3A_384 = arith.constant 5 : i32
      %eq3A_385 = vector.broadcast %eq3A_384 : i32 to vector<16xi32>
      %eq3A_386 = arith.cmpi eq, %select_n3A_126, %eq3A_385 : vector<16xi32>
      %jit3A_387 = arith.constant 1.000000e+00 : f32
      %jit3A_388 = arith.constant 0.000000e+00 : f32
      %broadcast_in_dim3A_389 = vector.broadcast %jit3A_387 : f32 to vector<16xf32>
      %broadcast_in_dim3A_390 = vector.broadcast %jit3A_388 : f32 to vector<16xf32>
      %select_n3A_391 = arith.select %eq3A_386, %broadcast_in_dim3A_389, %broadcast_in_dim3A_390 : vector<16xi1>, vector<16xf32>
      %eq3A_392 = arith.constant 5 : i32
      %eq3A_393 = vector.broadcast %eq3A_392 : i32 to vector<16xi32>
      %eq3A_394 = arith.cmpi eq, %select_n3A_243, %eq3A_393 : vector<16xi32>
      %jit3A_395 = arith.constant 1.000000e+00 : f32
      %jit3A_396 = arith.constant 0.000000e+00 : f32
      %broadcast_in_dim3A_397 = vector.broadcast %jit3A_395 : f32 to vector<16xf32>
      %broadcast_in_dim3A_398 = vector.broadcast %jit3A_396 : f32 to vector<16xf32>
      %select_n3A_399 = arith.select %eq3A_394, %broadcast_in_dim3A_397, %broadcast_in_dim3A_398 : vector<16xi1>, vector<16xf32>
      %add3A_400 = arith.addf %select_n3A_391, %select_n3A_399 : vector<16xf32>
      %add3A_401 = arith.addf %scan3A_46, %add3A_400 : vector<16xf32>
      %eq3A_402 = arith.constant 6 : i32
      %eq3A_403 = vector.broadcast %eq3A_402 : i32 to vector<16xi32>
      %eq3A_404 = arith.cmpi eq, %select_n3A_126, %eq3A_403 : vector<16xi32>
      %jit3A_405 = arith.constant 1.000000e+00 : f32
      %jit3A_406 = arith.constant 0.000000e+00 : f32
      %broadcast_in_dim3A_407 = vector.broadcast %jit3A_405 : f32 to vector<16xf32>
      %broadcast_in_dim3A_408 = vector.broadcast %jit3A_406 : f32 to vector<16xf32>
      %select_n3A_409 = arith.select %eq3A_404, %broadcast_in_dim3A_407, %broadcast_in_dim3A_408 : vector<16xi1>, vector<16xf32>
      %eq3A_410 = arith.constant 6 : i32
      %eq3A_411 = vector.broadcast %eq3A_410 : i32 to vector<16xi32>
      %eq3A_412 = arith.cmpi eq, %select_n3A_243, %eq3A_411 : vector<16xi32>
      %jit3A_413 = arith.constant 1.000000e+00 : f32
      %jit3A_414 = arith.constant 0.000000e+00 : f32
      %broadcast_in_dim3A_415 = vector.broadcast %jit3A_413 : f32 to vector<16xf32>
      %broadcast_in_dim3A_416 = vector.broadcast %jit3A_414 : f32 to vector<16xf32>
      %select_n3A_417 = arith.select %eq3A_412, %broadcast_in_dim3A_415, %broadcast_in_dim3A_416 : vector<16xi1>, vector<16xf32>
      %add3A_418 = arith.addf %select_n3A_409, %select_n3A_417 : vector<16xf32>
      %add3A_419 = arith.addf %scan3A_47, %add3A_418 : vector<16xf32>
      %eq3A_420 = arith.constant 7 : i32
      %eq3A_421 = vector.broadcast %eq3A_420 : i32 to vector<16xi32>
      %eq3A_422 = arith.cmpi eq, %select_n3A_126, %eq3A_421 : vector<16xi32>
      %jit3A_423 = arith.constant 1.000000e+00 : f32
      %jit3A_424 = arith.constant 0.000000e+00 : f32
      %broadcast_in_dim3A_425 = vector.broadcast %jit3A_423 : f32 to vector<16xf32>
      %broadcast_in_dim3A_426 = vector.broadcast %jit3A_424 : f32 to vector<16xf32>
      %select_n3A_427 = arith.select %eq3A_422, %broadcast_in_dim3A_425, %broadcast_in_dim3A_426 : vector<16xi1>, vector<16xf32>
      %eq3A_428 = arith.constant 7 : i32
      %eq3A_429 = vector.broadcast %eq3A_428 : i32 to vector<16xi32>
      %eq3A_430 = arith.cmpi eq, %select_n3A_243, %eq3A_429 : vector<16xi32>
      %jit3A_431 = arith.constant 1.000000e+00 : f32
      %jit3A_432 = arith.constant 0.000000e+00 : f32
      %broadcast_in_dim3A_433 = vector.broadcast %jit3A_431 : f32 to vector<16xf32>
      %broadcast_in_dim3A_434 = vector.broadcast %jit3A_432 : f32 to vector<16xf32>
      %select_n3A_435 = arith.select %eq3A_430, %broadcast_in_dim3A_433, %broadcast_in_dim3A_434 : vector<16xi1>, vector<16xf32>
      %add3A_436 = arith.addf %select_n3A_427, %select_n3A_435 : vector<16xf32>
      %add3A_437 = arith.addf %scan3A_48, %add3A_436 : vector<16xf32>
      scf.yield %add3A_311, %add3A_329, %add3A_347, %add3A_365, %add3A_383, %add3A_401, %add3A_419, %add3A_437 : vector<16xf32>, vector<16xf32>, vector<16xf32>, vector<16xf32>, vector<16xf32>, vector<16xf32>, vector<16xf32>, vector<16xf32>
    }
    %scan3A_8 = arith.constant 32 : i32
    %swap3A = arith.constant 0 : index
    %swap3A_9 = tpu.vector_load %arg9[%swap3A] {strides = array<i32>} : memref<128xf32, #tpu.memory_space<vmem>>, vector<16xf32>,
    %swap3A_10 = vector.shape_cast %swap3A_9 : vector<16xf32> to vector<16xf32>
    %swap3A_11 = vector.shape_cast %scan3A_7#0 : vector<16xf32> to vector<16xf32>
    tpu.vector_store %arg9[%swap3A], %swap3A_11 {strides = array<i32>} : memref<128xf32, #tpu.memory_space<vmem>>, vector<16xf32>,
    %swap3A_12 = arith.constant 16 : index
    %swap3A_13 = tpu.vector_load %arg9[%swap3A_12] {strides = array<i32>} : memref<128xf32, #tpu.memory_space<vmem>>, vector<16xf32>,
    %swap3A_14 = vector.shape_cast %swap3A_13 : vector<16xf32> to vector<16xf32>
    %swap3A_15 = vector.shape_cast %scan3A_7#1 : vector<16xf32> to vector<16xf32>
    tpu.vector_store %arg9[%swap3A_12], %swap3A_15 {strides = array<i32>} : memref<128xf32, #tpu.memory_space<vmem>>, vector<16xf32>,
    %swap3A_16 = arith.constant 32 : index
    %swap3A_17 = tpu.vector_load %arg9[%swap3A_16] {strides = array<i32>} : memref<128xf32, #tpu.memory_space<vmem>>, vector<16xf32>,
    %swap3A_18 = vector.shape_cast %swap3A_17 : vector<16xf32> to vector<16xf32>
    %swap3A_19 = vector.shape_cast %scan3A_7#2 : vector<16xf32> to vector<16xf32>
    tpu.vector_store %arg9[%swap3A_16], %swap3A_19 {strides = array<i32>} : memref<128xf32, #tpu.memory_space<vmem>>, vector<16xf32>,
    %swap3A_20 = arith.constant 48 : index
    %swap3A_21 = tpu.vector_load %arg9[%swap3A_20] {strides = array<i32>} : memref<128xf32, #tpu.memory_space<vmem>>, vector<16xf32>,
    %swap3A_22 = vector.shape_cast %swap3A_21 : vector<16xf32> to vector<16xf32>
    %swap3A_23 = vector.shape_cast %scan3A_7#3 : vector<16xf32> to vector<16xf32>
    tpu.vector_store %arg9[%swap3A_20], %swap3A_23 {strides = array<i32>} : memref<128xf32, #tpu.memory_space<vmem>>, vector<16xf32>,
    %swap3A_24 = arith.constant 64 : index
    %swap3A_25 = tpu.vector_load %arg9[%swap3A_24] {strides = array<i32>} : memref<128xf32, #tpu.memory_space<vmem>>, vector<16xf32>,
    %swap3A_26 = vector.shape_cast %swap3A_25 : vector<16xf32> to vector<16xf32>
    %swap3A_27 = vector.shape_cast %scan3A_7#4 : vector<16xf32> to vector<16xf32>
    tpu.vector_store %arg9[%swap3A_24], %swap3A_27 {strides = array<i32>} : memref<128xf32, #tpu.memory_space<vmem>>, vector<16xf32>,
    %swap3A_28 = arith.constant 80 : index
    %swap3A_29 = tpu.vector_load %arg9[%swap3A_28] {strides = array<i32>} : memref<128xf32, #tpu.memory_space<vmem>>, vector<16xf32>,
    %swap3A_30 = vector.shape_cast %swap3A_29 : vector<16xf32> to vector<16xf32>
    %swap3A_31 = vector.shape_cast %scan3A_7#5 : vector<16xf32> to vector<16xf32>
    tpu.vector_store %arg9[%swap3A_28], %swap3A_31 {strides = array<i32>} : memref<128xf32, #tpu.memory_space<vmem>>, vector<16xf32>,
    %swap3A_32 = arith.constant 96 : index
    %swap3A_33 = tpu.vector_load %arg9[%swap3A_32] {strides = array<i32>} : memref<128xf32, #tpu.memory_space<vmem>>, vector<16xf32>,
    %swap3A_34 = vector.shape_cast %swap3A_33 : vector<16xf32> to vector<16xf32>
    %swap3A_35 = vector.shape_cast %scan3A_7#6 : vector<16xf32> to vector<16xf32>
    tpu.vector_store %arg9[%swap3A_32], %swap3A_35 {strides = array<i32>} : memref<128xf32, #tpu.memory_space<vmem>>, vector<16xf32>,
    %swap3A_36 = arith.constant 112 : index
    %swap3A_37 = tpu.vector_load %arg9[%swap3A_36] {strides = array<i32>} : memref<128xf32, #tpu.memory_space<vmem>>, vector<16xf32>,
    %swap3A_38 = vector.shape_cast %swap3A_37 : vector<16xf32> to vector<16xf32>
    %swap3A_39 = vector.shape_cast %scan3A_7#7 : vector<16xf32> to vector<16xf32>
    tpu.vector_store %arg9[%swap3A_36], %swap3A_39 {strides = array<i32>} : memref<128xf32, #tpu.memory_space<vmem>>, vector<16xf32>,
    "tpu.region"() ({
      %run_scoped3A = tpu.sem_alloc : memref<!tpu.dma_semaphore, #tpu.memory_space<semaphore_mem>>
      %dma_start3A = arith.constant 0 : i32
      %dma_start3A_40 = tpu.memref_slice %arg3[%dma_start3A, %mul3A_2] : memref<2x16384xf32, #tpu.memory_space<hbm>> -> memref<2x512xf32, #tpu.memory_space<hbm>>
      %dma_start3A_41 = arith.constant 0 : i32
      %dma_start3A_42 = tpu.memref_slice %arg3[%dma_start3A_41, %mul3A_2] : memref<2x16384xf32, #tpu.memory_space<hbm>> -> memref<2x512xf32, #tpu.memory_space<hbm>>
      tpu.enqueue_dma source(%arg7 : memref<2x512xf32, #tpu.memory_space<vmem>>) target(%dma_start3A_42 : memref<2x512xf32, #tpu.memory_space<hbm>>) target_semaphore(%run_scoped3A : memref<!tpu.dma_semaphore, #tpu.memory_space<semaphore_mem>>)
      %dma_wait3A = arith.constant 0 : i32
      %dma_wait3A_43 = tpu.memref_slice %arg3[%dma_wait3A, %mul3A_2] : memref<2x16384xf32, #tpu.memory_space<hbm>> -> memref<2x512xf32, #tpu.memory_space<hbm>>
      %dma_wait3A_44 = arith.constant 0 : i32
      %dma_wait3A_45 = tpu.memref_slice %arg3[%dma_wait3A_44, %mul3A_2] : memref<2x16384xf32, #tpu.memory_space<hbm>> -> memref<2x512xf32, #tpu.memory_space<hbm>>
      tpu.wait_dma2 semaphore(%run_scoped3A : memref<!tpu.dma_semaphore, #tpu.memory_space<semaphore_mem>>) src(%arg7 : memref<2x512xf32, #tpu.memory_space<vmem>>) dst(%dma_wait3A_45 : memref<2x512xf32, #tpu.memory_space<hbm>>)
      tpu.yield
    }) : () -> ()
    "tpu.region"() ({
      %run_scoped3A = tpu.sem_alloc : memref<!tpu.dma_semaphore, #tpu.memory_space<semaphore_mem>>
      %dma_start3A = arith.constant 0 : i32
      %dma_start3A_40 = tpu.memref_slice %arg4[%dma_start3A, %mul3A_2] : memref<2x16384xi32, #tpu.memory_space<hbm>> -> memref<2x512xi32, #tpu.memory_space<hbm>>
      %dma_start3A_41 = arith.constant 0 : i32
      %dma_start3A_42 = tpu.memref_slice %arg4[%dma_start3A_41, %mul3A_2] : memref<2x16384xi32, #tpu.memory_space<hbm>> -> memref<2x512xi32, #tpu.memory_space<hbm>>
      tpu.enqueue_dma source(%arg8 : memref<2x512xi32, #tpu.memory_space<vmem>>) target(%dma_start3A_42 : memref<2x512xi32, #tpu.memory_space<hbm>>) target_semaphore(%run_scoped3A : memref<!tpu.dma_semaphore, #tpu.memory_space<semaphore_mem>>)
      %dma_wait3A = arith.constant 0 : i32
      %dma_wait3A_43 = tpu.memref_slice %arg4[%dma_wait3A, %mul3A_2] : memref<2x16384xi32, #tpu.memory_space<hbm>> -> memref<2x512xi32, #tpu.memory_space<hbm>>
      %dma_wait3A_44 = arith.constant 0 : i32
      %dma_wait3A_45 = tpu.memref_slice %arg4[%dma_wait3A_44, %mul3A_2] : memref<2x16384xi32, #tpu.memory_space<hbm>> -> memref<2x512xi32, #tpu.memory_space<hbm>>
      tpu.wait_dma2 semaphore(%run_scoped3A : memref<!tpu.dma_semaphore, #tpu.memory_space<semaphore_mem>>) src(%arg8 : memref<2x512xi32, #tpu.memory_space<vmem>>) dst(%dma_wait3A_45 : memref<2x512xi32, #tpu.memory_space<hbm>>)
      tpu.yield
    }) : () -> ()
    "tpu.region"() ({
      %run_scoped3A = tpu.sem_alloc : memref<!tpu.dma_semaphore, #tpu.memory_space<semaphore_mem>>
      %dma_start3A = arith.constant 0 : i32
      %dma_start3A_40 = tpu.memref_slice %arg5[%add3A, %dma_start3A] : memref<32x128xf32, #tpu.memory_space<hbm>> -> memref<1x128xf32, #tpu.memory_space<hbm>>
      %dma_start3A_41 = tpu.memref_squeeze %dma_start3A_40 : memref<1x128xf32, #tpu.memory_space<hbm>> -> memref<128xf32, #tpu.memory_space<hbm>>
      %dma_start3A_42 = arith.constant 0 : i32
      %dma_start3A_43 = tpu.memref_slice %arg5[%add3A, %dma_start3A_42] : memref<32x128xf32, #tpu.memory_space<hbm>> -> memref<1x128xf32, #tpu.memory_space<hbm>>
      %dma_start3A_44 = tpu.memref_squeeze %dma_start3A_43 : memref<1x128xf32, #tpu.memory_space<hbm>> -> memref<128xf32, #tpu.memory_space<hbm>>
      tpu.enqueue_dma source(%arg9 : memref<128xf32, #tpu.memory_space<vmem>>) target(%dma_start3A_44 : memref<128xf32, #tpu.memory_space<hbm>>) target_semaphore(%run_scoped3A : memref<!tpu.dma_semaphore, #tpu.memory_space<semaphore_mem>>)
      %dma_wait3A = arith.constant 0 : i32
      %dma_wait3A_45 = tpu.memref_slice %arg5[%add3A, %dma_wait3A] : memref<32x128xf32, #tpu.memory_space<hbm>> -> memref<1x128xf32, #tpu.memory_space<hbm>>
      %dma_wait3A_46 = tpu.memref_squeeze %dma_wait3A_45 : memref<1x128xf32, #tpu.memory_space<hbm>> -> memref<128xf32, #tpu.memory_space<hbm>>
      %dma_wait3A_47 = arith.constant 0 : i32
      %dma_wait3A_48 = tpu.memref_slice %arg5[%add3A, %dma_wait3A_47] : memref<32x128xf32, #tpu.memory_space<hbm>> -> memref<1x128xf32, #tpu.memory_space<hbm>>
      %dma_wait3A_49 = tpu.memref_squeeze %dma_wait3A_48 : memref<1x128xf32, #tpu.memory_space<hbm>> -> memref<128xf32, #tpu.memory_space<hbm>>
      tpu.wait_dma2 semaphore(%run_scoped3A : memref<!tpu.dma_semaphore, #tpu.memory_space<semaphore_mem>>) src(%arg9 : memref<128xf32, #tpu.memory_space<vmem>>) dst(%dma_wait3A_49 : memref<128xf32, #tpu.memory_space<hbm>>)
      tpu.yield
    }) : () -> ()
    return
  }
}

module attributes {stable_mosaic.version = 14 : i64} {
  func.func @_matmul_body(%arg0: i32, %arg1: memref<4096x768xf32, #tpu.memory_space<vmem>>, %arg2: memref<8x768xf32, #tpu.memory_space<vmem>>, %arg3: memref<8x4096xf32, #tpu.memory_space<vmem>>, %arg4: memref<1x1xf32, #tpu.memory_space<vmem>>, %arg5: memref<8x1xf32, #tpu.memory_space<vmem>>, %arg6: memref<1x1xf32, #tpu.memory_space<vmem>>, %arg7: memref<8x1xf32, #tpu.memory_space<vmem>>) attributes {dimension_semantics = [#tpu.dimension_semantics<arbitrary>], iteration_bounds = array<i64: 4>, scalar_prefetch = 0 : i64, scratch_operands = 2 : i64, tpu.core_type = #tpu.core_type<tc>, window_params = [{transform_indices = @transform_0, window_bounds = array<i64: 4096, 768>}, {pipeline_mode = #tpu.pipeline_mode<synchronous>, transform_indices = @transform_1, window_bounds = array<i64: 8, 768>}, {transform_indices = @transform_2, window_bounds = array<i64: 8, 4096>}, {pipeline_mode = #tpu.pipeline_mode<synchronous>, transform_indices = @transform_3, window_bounds = array<i64: 1, 1>}, {pipeline_mode = #tpu.pipeline_mode<synchronous>, transform_indices = @transform_4, window_bounds = array<i64: 8, 1>}]} {
    %eq3A = arith.constant 0 : i32
    %eq3A_0 = arith.cmpi eq, %arg0, %eq3A : i32
    %convert_element_type3A = arith.extui %eq3A_0 : i1 to i32
    %cond3A = arith.constant 0 : i32
    %cond3A_1 = arith.cmpi ne, %convert_element_type3A, %cond3A : i32
    scf.if %cond3A_1 {
      %broadcast_in_dim3A_43 = arith.constant 0.000000e+00 : f32
      %broadcast_in_dim3A_44 = vector.broadcast %broadcast_in_dim3A_43 : f32 to vector<1x1xf32>
      %swap3A_45 = arith.constant 0 : index
      %swap3A_46 = arith.constant 0 : index
      %swap3A_47 = vector.load %arg6[%swap3A_45, %swap3A_46] : memref<1x1xf32, #tpu.memory_space<vmem>>, vector<1x1xf32>
      tpu.vector_store %arg6[%swap3A_45, %swap3A_46], %broadcast_in_dim3A_44 {strides = array<i32>} : memref<1x1xf32, #tpu.memory_space<vmem>>, vector<1x1xf32>,
      %broadcast_in_dim3A_48 = arith.constant 0.000000e+00 : f32
      %broadcast_in_dim3A_49 = vector.broadcast %broadcast_in_dim3A_48 : f32 to vector<8x1xf32>
      %swap3A_50 = arith.constant 0 : index
      %swap3A_51 = arith.constant 0 : index
      %swap3A_52 = vector.load %arg7[%swap3A_50, %swap3A_51] : memref<8x1xf32, #tpu.memory_space<vmem>>, vector<8x1xf32>
      tpu.vector_store %arg7[%swap3A_50, %swap3A_51], %broadcast_in_dim3A_49 {strides = array<i32>} : memref<8x1xf32, #tpu.memory_space<vmem>>, vector<8x1xf32>,
    } else {
    }
    %get3A = arith.constant 0 : index
    %get3A_2 = arith.constant 0 : index
    %get3A_3 = vector.load %arg2[%get3A, %get3A_2] : memref<8x768xf32, #tpu.memory_space<vmem>>, vector<8x768xf32>
    %get3A_4 = arith.constant 0 : index
    %get3A_5 = arith.constant 0 : index
    %get3A_6 = vector.load %arg1[%get3A_4, %get3A_5] : memref<4096x768xf32, #tpu.memory_space<vmem>>, vector<4096x768xf32>
    %dot_general3A = arith.constant dense<0.000000e+00> : vector<8x4096xf32>
    %dot_general3A_7 = tpu.matmul %get3A_3, %get3A_6, %dot_general3A {dimension_numbers = #tpu.dot_dimension_numbers<[1], [1], [0], [0], [0, 0, 1, 0], [], []>, transpose_lhs_hint = false} : vector<8x768xf32>, vector<4096x768xf32>, vector<8x4096xf32> -> vector<8x4096xf32>
    %swap3A = arith.constant 0 : index
    %swap3A_8 = arith.constant 0 : index
    %swap3A_9 = vector.load %arg3[%swap3A, %swap3A_8] : memref<8x4096xf32, #tpu.memory_space<vmem>>, vector<8x4096xf32>
    tpu.vector_store %arg3[%swap3A, %swap3A_8], %dot_general3A_7 {strides = array<i32>} : memref<8x4096xf32, #tpu.memory_space<vmem>>, vector<8x4096xf32>,
    %reduce_max3A = arith.constant dense<0xFF800000> : vector<4096xf32>
    %reduce_max3A_10 = vector.multi_reduction <maximumf>, %dot_general3A_7, %reduce_max3A [0] : vector<8x4096xf32> to vector<4096xf32>
    %broadcast_in_dim3A = vector.shape_cast %reduce_max3A_10 : vector<4096xf32> to vector<1x4096xf32>
    %sub3A = vector.broadcast %broadcast_in_dim3A : vector<1x4096xf32> to vector<8x4096xf32>
    %sub3A_11 = arith.subf %dot_general3A_7, %sub3A : vector<8x4096xf32>
    %exp3A = math.exp %sub3A_11 : vector<8x4096xf32>
    %reduce_sum3A = arith.constant dense<0.000000e+00> : vector<4096xf32>
    %reduce_sum3A_12 = vector.multi_reduction <add>, %exp3A, %reduce_sum3A [0] : vector<8x4096xf32> to vector<4096xf32>
    %broadcast_in_dim3A_13 = vector.shape_cast %reduce_sum3A_12 : vector<4096xf32> to vector<1x4096xf32>
    %log3A = math.log %broadcast_in_dim3A_13 : vector<1x4096xf32>
    %add3A = arith.addf %broadcast_in_dim3A, %log3A : vector<1x4096xf32>
    %get3A_14 = arith.constant 0 : index
    %get3A_15 = arith.constant 0 : index
    %get3A_16 = vector.load %arg6[%get3A_14, %get3A_15] : memref<1x1xf32, #tpu.memory_space<vmem>>, vector<1x1xf32>
    %mul3A = arith.mulf %add3A, %add3A : vector<1x4096xf32>
    %reduce_sum3A_17 = vector.shape_cast %mul3A : vector<1x4096xf32> to vector<1x1x4096xf32>
    %reduce_sum3A_18 = arith.constant dense<0.000000e+00> : vector<1xf32>
    %reduce_sum3A_19 = vector.multi_reduction <add>, %reduce_sum3A_17, %reduce_sum3A_18 [1, 2] : vector<1x1x4096xf32> to vector<1xf32>
    %reduce_sum3A_20 = vector.shape_cast %reduce_sum3A_19 : vector<1xf32> to vector<1x1x1xf32>
    %reduce_sum3A_21 = vector.extract %reduce_sum3A_20[0, 0, 0] : f32 from vector<1x1x1xf32>
    %add3A_22 = vector.broadcast %reduce_sum3A_21 : f32 to vector<1x1xf32>
    %add3A_23 = arith.addf %get3A_16, %add3A_22 : vector<1x1xf32>
    %swap3A_24 = arith.constant 0 : index
    %swap3A_25 = arith.constant 0 : index
    %swap3A_26 = vector.load %arg6[%swap3A_24, %swap3A_25] : memref<1x1xf32, #tpu.memory_space<vmem>>, vector<1x1xf32>
    tpu.vector_store %arg6[%swap3A_24, %swap3A_25], %add3A_23 {strides = array<i32>} : memref<1x1xf32, #tpu.memory_space<vmem>>, vector<1x1xf32>,
    %get3A_27 = arith.constant 0 : index
    %get3A_28 = arith.constant 0 : index
    %get3A_29 = vector.load %arg7[%get3A_27, %get3A_28] : memref<8x1xf32, #tpu.memory_space<vmem>>, vector<8x1xf32>
    %div3A = vector.broadcast %broadcast_in_dim3A_13 : vector<1x4096xf32> to vector<8x4096xf32>
    %div3A_30 = arith.divf %exp3A, %div3A : vector<8x4096xf32>
    %reduce_sum3A_31 = arith.constant dense<0.000000e+00> : vector<8xf32>
    %reduce_sum3A_32 = vector.multi_reduction <add>, %div3A_30, %reduce_sum3A_31 [1] : vector<8x4096xf32> to vector<8xf32>
    %broadcast_in_dim3A_33 = vector.shape_cast %reduce_sum3A_32 : vector<8xf32> to vector<8x1xf32>
    %add3A_34 = arith.addf %get3A_29, %broadcast_in_dim3A_33 : vector<8x1xf32>
    %swap3A_35 = arith.constant 0 : index
    %swap3A_36 = arith.constant 0 : index
    %swap3A_37 = vector.load %arg7[%swap3A_35, %swap3A_36] : memref<8x1xf32, #tpu.memory_space<vmem>>, vector<8x1xf32>
    tpu.vector_store %arg7[%swap3A_35, %swap3A_36], %add3A_34 {strides = array<i32>} : memref<8x1xf32, #tpu.memory_space<vmem>>, vector<8x1xf32>,
    %eq3A_38 = arith.constant 3 : i32
    %eq3A_39 = arith.cmpi eq, %arg0, %eq3A_38 : i32
    %convert_element_type3A_40 = arith.extui %eq3A_39 : i1 to i32
    %cond3A_41 = arith.constant 0 : i32
    %cond3A_42 = arith.cmpi ne, %convert_element_type3A_40, %cond3A_41 : i32
    scf.if %cond3A_42 {
      %get3A_43 = arith.constant 0 : index
      %get3A_44 = arith.constant 0 : index
      %get3A_45 = vector.load %arg6[%get3A_43, %get3A_44] : memref<1x1xf32, #tpu.memory_space<vmem>>, vector<1x1xf32>
      %swap3A_46 = arith.constant 0 : index
      %swap3A_47 = arith.constant 0 : index
      %swap3A_48 = vector.load %arg4[%swap3A_46, %swap3A_47] : memref<1x1xf32, #tpu.memory_space<vmem>>, vector<1x1xf32>
      tpu.vector_store %arg4[%swap3A_46, %swap3A_47], %get3A_45 {strides = array<i32>} : memref<1x1xf32, #tpu.memory_space<vmem>>, vector<1x1xf32>,
      %get3A_49 = arith.constant 0 : index
      %get3A_50 = arith.constant 0 : index
      %get3A_51 = vector.load %arg7[%get3A_49, %get3A_50] : memref<8x1xf32, #tpu.memory_space<vmem>>, vector<8x1xf32>
      %swap3A_52 = arith.constant 0 : index
      %swap3A_53 = arith.constant 0 : index
      %swap3A_54 = vector.load %arg5[%swap3A_52, %swap3A_53] : memref<8x1xf32, #tpu.memory_space<vmem>>, vector<8x1xf32>
      tpu.vector_store %arg5[%swap3A_52, %swap3A_53], %get3A_51 {strides = array<i32>} : memref<8x1xf32, #tpu.memory_space<vmem>>, vector<8x1xf32>,
    } else {
    }
    return
  }
  func.func @transform_0(%arg0: i32) -> (i32, i32) {
    %add3A = arith.constant 4 : i32
    %add3A_0 = arith.addi %add3A, %arg0 : i32
    %c0_i32 = arith.constant 0 : i32
    %c0_i32_1 = arith.constant 0 : i32
    return %add3A_0, %c0_i32 : i32, i32
  }
  func.func @transform_1(%arg0: i32) -> (i32, i32) {
    %c0_i32 = arith.constant 0 : i32
    %c0_i32_0 = arith.constant 0 : i32
    %c0_i32_1 = arith.constant 0 : i32
    return %c0_i32, %c0_i32_0 : i32, i32
  }
  func.func @transform_2(%arg0: i32) -> (i32, i32) {
    %c0_i32 = arith.constant 0 : i32
    %c0_i32_0 = arith.constant 0 : i32
    return %c0_i32, %arg0 : i32, i32
  }
  func.func @transform_3(%arg0: i32) -> (i32, i32) {
    %c0_i32 = arith.constant 0 : i32
    %c0_i32_0 = arith.constant 0 : i32
    %c0_i32_1 = arith.constant 0 : i32
    return %c0_i32, %c0_i32_0 : i32, i32
  }
  func.func @transform_4(%arg0: i32) -> (i32, i32) {
    %c0_i32 = arith.constant 0 : i32
    %c0_i32_0 = arith.constant 0 : i32
    %c0_i32_1 = arith.constant 0 : i32
    return %c0_i32, %c0_i32_0 : i32, i32
  }
}

module attributes {stable_mosaic.version = 14 : i64} {
  func.func @_matmul_body(%arg0: i32, %arg1: memref<4096x768xf32, #tpu.memory_space<vmem>>, %arg2: memref<8x768xf32, #tpu.memory_space<vmem>>, %arg3: memref<8x4096xf32, #tpu.memory_space<vmem>>, %arg4: memref<1x1xf32, #tpu.memory_space<vmem>>, %arg5: memref<8x1xf32, #tpu.memory_space<vmem>>, %arg6: memref<1x1xf32, #tpu.memory_space<vmem>>, %arg7: memref<8x1xf32, #tpu.memory_space<vmem>>) attributes {dimension_semantics = [#tpu.dimension_semantics<arbitrary>], iteration_bounds = array<i64: 4>, scalar_prefetch = 0 : i64, scratch_operands = 2 : i64, tpu.core_type = #tpu.core_type<tc>, window_params = [{transform_indices = @transform_0, window_bounds = array<i64: 4096, 768>}, {pipeline_mode = #tpu.pipeline_mode<synchronous>, transform_indices = @transform_1, window_bounds = array<i64: 8, 768>}, {transform_indices = @transform_2, window_bounds = array<i64: 8, 4096>}, {pipeline_mode = #tpu.pipeline_mode<synchronous>, transform_indices = @transform_3, window_bounds = array<i64: 1, 1>}, {pipeline_mode = #tpu.pipeline_mode<synchronous>, transform_indices = @transform_4, window_bounds = array<i64: 8, 1>}]} {
    %eq3A = arith.constant 0 : i32
    %eq3A_0 = arith.cmpi eq, %arg0, %eq3A : i32
    %convert_element_type3A = arith.extui %eq3A_0 : i1 to i32
    %cond3A = arith.constant 0 : i32
    %cond3A_1 = arith.cmpi ne, %convert_element_type3A, %cond3A : i32
    scf.if %cond3A_1 {
      %broadcast_in_dim3A_43 = arith.constant 0.000000e+00 : f32
      %broadcast_in_dim3A_44 = vector.broadcast %broadcast_in_dim3A_43 : f32 to vector<1x1xf32>
      %swap3A_45 = arith.constant 0 : index
      %swap3A_46 = arith.constant 0 : index
      %swap3A_47 = vector.load %arg6[%swap3A_45, %swap3A_46] : memref<1x1xf32, #tpu.memory_space<vmem>>, vector<1x1xf32>
      tpu.vector_store %arg6[%swap3A_45, %swap3A_46], %broadcast_in_dim3A_44 {strides = array<i32>} : memref<1x1xf32, #tpu.memory_space<vmem>>, vector<1x1xf32>,
      %broadcast_in_dim3A_48 = arith.constant 0.000000e+00 : f32
      %broadcast_in_dim3A_49 = vector.broadcast %broadcast_in_dim3A_48 : f32 to vector<8x1xf32>
      %swap3A_50 = arith.constant 0 : index
      %swap3A_51 = arith.constant 0 : index
      %swap3A_52 = vector.load %arg7[%swap3A_50, %swap3A_51] : memref<8x1xf32, #tpu.memory_space<vmem>>, vector<8x1xf32>
      tpu.vector_store %arg7[%swap3A_50, %swap3A_51], %broadcast_in_dim3A_49 {strides = array<i32>} : memref<8x1xf32, #tpu.memory_space<vmem>>, vector<8x1xf32>,
    } else {
    }
    %get3A = arith.constant 0 : index
    %get3A_2 = arith.constant 0 : index
    %get3A_3 = vector.load %arg2[%get3A, %get3A_2] : memref<8x768xf32, #tpu.memory_space<vmem>>, vector<8x768xf32>
    %get3A_4 = arith.constant 0 : index
    %get3A_5 = arith.constant 0 : index
    %get3A_6 = vector.load %arg1[%get3A_4, %get3A_5] : memref<4096x768xf32, #tpu.memory_space<vmem>>, vector<4096x768xf32>
    %dot_general3A = arith.constant dense<0.000000e+00> : vector<8x4096xf32>
    %dot_general3A_7 = tpu.matmul %get3A_3, %get3A_6, %dot_general3A {dimension_numbers = #tpu.dot_dimension_numbers<[1], [1], [0], [0], [0, 0, 1, 0], [], []>, transpose_lhs_hint = false} : vector<8x768xf32>, vector<4096x768xf32>, vector<8x4096xf32> -> vector<8x4096xf32>
    %swap3A = arith.constant 0 : index
    %swap3A_8 = arith.constant 0 : index
    %swap3A_9 = vector.load %arg3[%swap3A, %swap3A_8] : memref<8x4096xf32, #tpu.memory_space<vmem>>, vector<8x4096xf32>
    tpu.vector_store %arg3[%swap3A, %swap3A_8], %dot_general3A_7 {strides = array<i32>} : memref<8x4096xf32, #tpu.memory_space<vmem>>, vector<8x4096xf32>,
    %reduce_max3A = arith.constant dense<0xFF800000> : vector<4096xf32>
    %reduce_max3A_10 = vector.multi_reduction <maximumf>, %dot_general3A_7, %reduce_max3A [0] : vector<8x4096xf32> to vector<4096xf32>
    %broadcast_in_dim3A = vector.shape_cast %reduce_max3A_10 : vector<4096xf32> to vector<1x4096xf32>
    %sub3A = vector.broadcast %broadcast_in_dim3A : vector<1x4096xf32> to vector<8x4096xf32>
    %sub3A_11 = arith.subf %dot_general3A_7, %sub3A : vector<8x4096xf32>
    %exp3A = math.exp %sub3A_11 : vector<8x4096xf32>
    %reduce_sum3A = arith.constant dense<0.000000e+00> : vector<4096xf32>
    %reduce_sum3A_12 = vector.multi_reduction <add>, %exp3A, %reduce_sum3A [0] : vector<8x4096xf32> to vector<4096xf32>
    %broadcast_in_dim3A_13 = vector.shape_cast %reduce_sum3A_12 : vector<4096xf32> to vector<1x4096xf32>
    %log3A = math.log %broadcast_in_dim3A_13 : vector<1x4096xf32>
    %add3A = arith.addf %broadcast_in_dim3A, %log3A : vector<1x4096xf32>
    %get3A_14 = arith.constant 0 : index
    %get3A_15 = arith.constant 0 : index
    %get3A_16 = vector.load %arg6[%get3A_14, %get3A_15] : memref<1x1xf32, #tpu.memory_space<vmem>>, vector<1x1xf32>
    %mul3A = arith.mulf %add3A, %add3A : vector<1x4096xf32>
    %reduce_sum3A_17 = vector.shape_cast %mul3A : vector<1x4096xf32> to vector<1x1x4096xf32>
    %reduce_sum3A_18 = arith.constant dense<0.000000e+00> : vector<1xf32>
    %reduce_sum3A_19 = vector.multi_reduction <add>, %reduce_sum3A_17, %reduce_sum3A_18 [1, 2] : vector<1x1x4096xf32> to vector<1xf32>
    %reduce_sum3A_20 = vector.shape_cast %reduce_sum3A_19 : vector<1xf32> to vector<1x1x1xf32>
    %reduce_sum3A_21 = vector.extract %reduce_sum3A_20[0, 0, 0] : f32 from vector<1x1x1xf32>
    %add3A_22 = vector.broadcast %reduce_sum3A_21 : f32 to vector<1x1xf32>
    %add3A_23 = arith.addf %get3A_16, %add3A_22 : vector<1x1xf32>
    %swap3A_24 = arith.constant 0 : index
    %swap3A_25 = arith.constant 0 : index
    %swap3A_26 = vector.load %arg6[%swap3A_24, %swap3A_25] : memref<1x1xf32, #tpu.memory_space<vmem>>, vector<1x1xf32>
    tpu.vector_store %arg6[%swap3A_24, %swap3A_25], %add3A_23 {strides = array<i32>} : memref<1x1xf32, #tpu.memory_space<vmem>>, vector<1x1xf32>,
    %get3A_27 = arith.constant 0 : index
    %get3A_28 = arith.constant 0 : index
    %get3A_29 = vector.load %arg7[%get3A_27, %get3A_28] : memref<8x1xf32, #tpu.memory_space<vmem>>, vector<8x1xf32>
    %div3A = vector.broadcast %broadcast_in_dim3A_13 : vector<1x4096xf32> to vector<8x4096xf32>
    %div3A_30 = arith.divf %exp3A, %div3A : vector<8x4096xf32>
    %reduce_sum3A_31 = arith.constant dense<0.000000e+00> : vector<8xf32>
    %reduce_sum3A_32 = vector.multi_reduction <add>, %div3A_30, %reduce_sum3A_31 [1] : vector<8x4096xf32> to vector<8xf32>
    %broadcast_in_dim3A_33 = vector.shape_cast %reduce_sum3A_32 : vector<8xf32> to vector<8x1xf32>
    %add3A_34 = arith.addf %get3A_29, %broadcast_in_dim3A_33 : vector<8x1xf32>
    %swap3A_35 = arith.constant 0 : index
    %swap3A_36 = arith.constant 0 : index
    %swap3A_37 = vector.load %arg7[%swap3A_35, %swap3A_36] : memref<8x1xf32, #tpu.memory_space<vmem>>, vector<8x1xf32>
    tpu.vector_store %arg7[%swap3A_35, %swap3A_36], %add3A_34 {strides = array<i32>} : memref<8x1xf32, #tpu.memory_space<vmem>>, vector<8x1xf32>,
    %eq3A_38 = arith.constant 3 : i32
    %eq3A_39 = arith.cmpi eq, %arg0, %eq3A_38 : i32
    %convert_element_type3A_40 = arith.extui %eq3A_39 : i1 to i32
    %cond3A_41 = arith.constant 0 : i32
    %cond3A_42 = arith.cmpi ne, %convert_element_type3A_40, %cond3A_41 : i32
    scf.if %cond3A_42 {
      %get3A_43 = arith.constant 0 : index
      %get3A_44 = arith.constant 0 : index
      %get3A_45 = vector.load %arg6[%get3A_43, %get3A_44] : memref<1x1xf32, #tpu.memory_space<vmem>>, vector<1x1xf32>
      %swap3A_46 = arith.constant 0 : index
      %swap3A_47 = arith.constant 0 : index
      %swap3A_48 = vector.load %arg4[%swap3A_46, %swap3A_47] : memref<1x1xf32, #tpu.memory_space<vmem>>, vector<1x1xf32>
      tpu.vector_store %arg4[%swap3A_46, %swap3A_47], %get3A_45 {strides = array<i32>} : memref<1x1xf32, #tpu.memory_space<vmem>>, vector<1x1xf32>,
      %get3A_49 = arith.constant 0 : index
      %get3A_50 = arith.constant 0 : index
      %get3A_51 = vector.load %arg7[%get3A_49, %get3A_50] : memref<8x1xf32, #tpu.memory_space<vmem>>, vector<8x1xf32>
      %swap3A_52 = arith.constant 0 : index
      %swap3A_53 = arith.constant 0 : index
      %swap3A_54 = vector.load %arg5[%swap3A_52, %swap3A_53] : memref<8x1xf32, #tpu.memory_space<vmem>>, vector<8x1xf32>
      tpu.vector_store %arg5[%swap3A_52, %swap3A_53], %get3A_51 {strides = array<i32>} : memref<8x1xf32, #tpu.memory_space<vmem>>, vector<8x1xf32>,
    } else {
    }
    return
  }
  func.func @transform_0(%arg0: i32) -> (i32, i32) {
    %add3A = arith.constant 0 : i32
    %add3A_0 = arith.addi %add3A, %arg0 : i32
    %c0_i32 = arith.constant 0 : i32
    %c0_i32_1 = arith.constant 0 : i32
    return %add3A_0, %c0_i32 : i32, i32
  }
  func.func @transform_1(%arg0: i32) -> (i32, i32) {
    %c0_i32 = arith.constant 0 : i32
    %c0_i32_0 = arith.constant 0 : i32
    %c0_i32_1 = arith.constant 0 : i32
    return %c0_i32, %c0_i32_0 : i32, i32
  }
  func.func @transform_2(%arg0: i32) -> (i32, i32) {
    %c0_i32 = arith.constant 0 : i32
    %c0_i32_0 = arith.constant 0 : i32
    return %c0_i32, %arg0 : i32, i32
  }
  func.func @transform_3(%arg0: i32) -> (i32, i32) {
    %c0_i32 = arith.constant 0 : i32
    %c0_i32_0 = arith.constant 0 : i32
    %c0_i32_1 = arith.constant 0 : i32
    return %c0_i32, %c0_i32_0 : i32, i32
  }
  func.func @transform_4(%arg0: i32) -> (i32, i32) {
    %c0_i32 = arith.constant 0 : i32
    %c0_i32_0 = arith.constant 0 : i32
    %c0_i32_1 = arith.constant 0 : i32
    return %c0_i32, %c0_i32_0 : i32, i32
  }
}

module attributes {stable_mosaic.version = 14 : i64} {
  func.func @_fin_body(%arg0: memref<32x128xf32, #tpu.memory_space<vmem>>, %arg1: memref<32x128xf32, #tpu.memory_space<vmem>>, %arg2: memref<8x1xf32, #tpu.memory_space<vmem>>, %arg3: memref<8x1xf32, #tpu.memory_space<vmem>>, %arg4: memref<1x1xf32, #tpu.memory_space<vmem>>, %arg5: memref<1x1xf32, #tpu.memory_space<vmem>>, %arg6: memref<1x1xf32, #tpu.memory_space<vmem>>, %arg7: memref<1x1xf32, #tpu.memory_space<vmem>>) attributes {dimension_semantics = [], scalar_prefetch = 0 : i64, scratch_operands = 0 : i64, tpu.core_type = #tpu.core_type<tc>} {
    %get3A = arith.constant 0 : index
    %get3A_0 = arith.constant 0 : index
    %get3A_1 = vector.load %arg0[%get3A, %get3A_0] : memref<32x128xf32, #tpu.memory_space<vmem>>, vector<32x128xf32>
    %get3A_2 = arith.constant 0 : index
    %get3A_3 = arith.constant 0 : index
    %get3A_4 = vector.load %arg1[%get3A_2, %get3A_3] : memref<32x128xf32, #tpu.memory_space<vmem>>, vector<32x128xf32>
    %add3A = arith.addf %get3A_1, %get3A_4 : vector<32x128xf32>
    %reduce_sum3A = arith.constant dense<0.000000e+00> : vector<128xf32>
    %reduce_sum3A_5 = vector.multi_reduction <add>, %add3A, %reduce_sum3A [0] : vector<32x128xf32> to vector<128xf32>
    %broadcast_in_dim3A = vector.shape_cast %reduce_sum3A_5 : vector<128xf32> to vector<1x128xf32>
    %get3A_6 = arith.constant 0 : index
    %get3A_7 = arith.constant 0 : index
    %get3A_8 = vector.load %arg2[%get3A_6, %get3A_7] : memref<8x1xf32, #tpu.memory_space<vmem>>, vector<8x1xf32>
    %get3A_9 = arith.constant 0 : index
    %get3A_10 = arith.constant 0 : index
    %get3A_11 = vector.load %arg3[%get3A_9, %get3A_10] : memref<8x1xf32, #tpu.memory_space<vmem>>, vector<8x1xf32>
    %add3A_12 = arith.addf %get3A_8, %get3A_11 : vector<8x1xf32>
    %iota3A = tpu.iota {dimensions = array<i32: 1>} : vector<1x128xi32>
    %jit3A = arith.constant 16 : i32
    %div3A = vector.broadcast %jit3A : i32 to vector<1x128xi32>
    %div3A_13 = arith.divsi %iota3A, %div3A : vector<1x128xi32>
    %sign3A = arith.constant 0 : i32
    %sign3A_14 = vector.broadcast %sign3A : i32 to vector<1x128xi32>
    %sign3A_15 = arith.cmpi sgt, %iota3A, %sign3A_14 : vector<1x128xi32>
    %sign3A_16 = arith.extui %sign3A_15 : vector<1x128xi1> to vector<1x128xi32>
    %sign3A_17 = arith.constant 0 : i32
    %sign3A_18 = vector.broadcast %sign3A_17 : i32 to vector<1x128xi32>
    %sign3A_19 = arith.cmpi slt, %iota3A, %sign3A_18 : vector<1x128xi32>
    %sign3A_20 = arith.extui %sign3A_19 : vector<1x128xi1> to vector<1x128xi32>
    %sign3A_21 = arith.subi %sign3A_16, %sign3A_20 : vector<1x128xi32>
    %sign3A_22 = arith.constant 0 : i32
    %sign3A_23 = arith.cmpi sgt, %jit3A, %sign3A_22 : i32
    %sign3A_24 = arith.extui %sign3A_23 : i1 to i32
    %sign3A_25 = arith.constant 0 : i32
    %sign3A_26 = arith.cmpi slt, %jit3A, %sign3A_25 : i32
    %sign3A_27 = arith.extui %sign3A_26 : i1 to i32
    %sign3A_28 = arith.subi %sign3A_24, %sign3A_27 : i32
    %ne3A = vector.broadcast %sign3A_28 : i32 to vector<1x128xi32>
    %ne3A_29 = arith.cmpi ne, %sign3A_21, %ne3A : vector<1x128xi32>
    %rem3A = vector.broadcast %jit3A : i32 to vector<1x128xi32>
    %rem3A_30 = arith.remsi %iota3A, %rem3A : vector<1x128xi32>
    %ne3A_31 = arith.constant 0 : i32
    %ne3A_32 = vector.broadcast %ne3A_31 : i32 to vector<1x128xi32>
    %ne3A_33 = arith.cmpi ne, %rem3A_30, %ne3A_32 : vector<1x128xi32>
    %and3A = arith.andi %ne3A_29, %ne3A_33 : vector<1x128xi1>
    %sub3A = arith.constant 1 : i32
    %sub3A_34 = vector.broadcast %sub3A : i32 to vector<1x128xi32>
    %sub3A_35 = arith.subi %div3A_13, %sub3A_34 : vector<1x128xi32>
    %select_n3A = arith.select %and3A, %sub3A_35, %div3A_13 : vector<1x128xi1>, vector<1x128xi32>
    %slice3A = vector.extract_strided_slice %add3A_12 {offsets = [0, 0], sizes = [1, 1], strides = [1, 1]} : vector<8x1xf32> to vector<1x1xf32>
    %squeeze3A = vector.extract %slice3A[0, 0] : f32 from vector<1x1xf32>
    %eq3A = arith.constant 0 : i32
    %eq3A_36 = vector.broadcast %eq3A : i32 to vector<1x128xi32>
    %eq3A_37 = arith.cmpi eq, %select_n3A, %eq3A_36 : vector<1x128xi32>
    %jit3A_38 = arith.constant 0.000000e+00 : f32
    %broadcast_in_dim3A_39 = vector.broadcast %jit3A_38 : f32 to vector<1x128xf32>
    %select_n3A_40 = arith.select %eq3A_37, %broadcast_in_dim3A, %broadcast_in_dim3A_39 : vector<1x128xi1>, vector<1x128xf32>
    %reduce_sum3A_41 = vector.shape_cast %select_n3A_40 : vector<1x128xf32> to vector<1x1x128xf32>
    %reduce_sum3A_42 = arith.constant dense<0.000000e+00> : vector<1xf32>
    %reduce_sum3A_43 = vector.multi_reduction <add>, %reduce_sum3A_41, %reduce_sum3A_42 [1, 2] : vector<1x1x128xf32> to vector<1xf32>
    %reduce_sum3A_44 = vector.shape_cast %reduce_sum3A_43 : vector<1xf32> to vector<1x1x1xf32>
    %reduce_sum3A_45 = vector.extract %reduce_sum3A_44[0, 0, 0] : f32 from vector<1x1x1xf32>
    %mul3A = arith.mulf %squeeze3A, %reduce_sum3A_45 : f32
    %add3A_46 = arith.constant 0.000000e+00 : f32
    %add3A_47 = arith.addf %add3A_46, %mul3A : f32
    %slice3A_48 = vector.extract_strided_slice %add3A_12 {offsets = [1, 0], sizes = [1, 1], strides = [1, 1]} : vector<8x1xf32> to vector<1x1xf32>
    %squeeze3A_49 = vector.extract %slice3A_48[0, 0] : f32 from vector<1x1xf32>
    %eq3A_50 = arith.constant 1 : i32
    %eq3A_51 = vector.broadcast %eq3A_50 : i32 to vector<1x128xi32>
    %eq3A_52 = arith.cmpi eq, %select_n3A, %eq3A_51 : vector<1x128xi32>
    %jit3A_53 = arith.constant 0.000000e+00 : f32
    %broadcast_in_dim3A_54 = vector.broadcast %jit3A_53 : f32 to vector<1x128xf32>
    %select_n3A_55 = arith.select %eq3A_52, %broadcast_in_dim3A, %broadcast_in_dim3A_54 : vector<1x128xi1>, vector<1x128xf32>
    %reduce_sum3A_56 = vector.shape_cast %select_n3A_55 : vector<1x128xf32> to vector<1x1x128xf32>
    %reduce_sum3A_57 = arith.constant dense<0.000000e+00> : vector<1xf32>
    %reduce_sum3A_58 = vector.multi_reduction <add>, %reduce_sum3A_56, %reduce_sum3A_57 [1, 2] : vector<1x1x128xf32> to vector<1xf32>
    %reduce_sum3A_59 = vector.shape_cast %reduce_sum3A_58 : vector<1xf32> to vector<1x1x1xf32>
    %reduce_sum3A_60 = vector.extract %reduce_sum3A_59[0, 0, 0] : f32 from vector<1x1x1xf32>
    %mul3A_61 = arith.mulf %squeeze3A_49, %reduce_sum3A_60 : f32
    %add3A_62 = arith.addf %add3A_47, %mul3A_61 : f32
    %slice3A_63 = vector.extract_strided_slice %add3A_12 {offsets = [2, 0], sizes = [1, 1], strides = [1, 1]} : vector<8x1xf32> to vector<1x1xf32>
    %squeeze3A_64 = vector.extract %slice3A_63[0, 0] : f32 from vector<1x1xf32>
    %eq3A_65 = arith.constant 2 : i32
    %eq3A_66 = vector.broadcast %eq3A_65 : i32 to vector<1x128xi32>
    %eq3A_67 = arith.cmpi eq, %select_n3A, %eq3A_66 : vector<1x128xi32>
    %jit3A_68 = arith.constant 0.000000e+00 : f32
    %broadcast_in_dim3A_69 = vector.broadcast %jit3A_68 : f32 to vector<1x128xf32>
    %select_n3A_70 = arith.select %eq3A_67, %broadcast_in_dim3A, %broadcast_in_dim3A_69 : vector<1x128xi1>, vector<1x128xf32>
    %reduce_sum3A_71 = vector.shape_cast %select_n3A_70 : vector<1x128xf32> to vector<1x1x128xf32>
    %reduce_sum3A_72 = arith.constant dense<0.000000e+00> : vector<1xf32>
    %reduce_sum3A_73 = vector.multi_reduction <add>, %reduce_sum3A_71, %reduce_sum3A_72 [1, 2] : vector<1x1x128xf32> to vector<1xf32>
    %reduce_sum3A_74 = vector.shape_cast %reduce_sum3A_73 : vector<1xf32> to vector<1x1x1xf32>
    %reduce_sum3A_75 = vector.extract %reduce_sum3A_74[0, 0, 0] : f32 from vector<1x1x1xf32>
    %mul3A_76 = arith.mulf %squeeze3A_64, %reduce_sum3A_75 : f32
    %add3A_77 = arith.addf %add3A_62, %mul3A_76 : f32
    %slice3A_78 = vector.extract_strided_slice %add3A_12 {offsets = [3, 0], sizes = [1, 1], strides = [1, 1]} : vector<8x1xf32> to vector<1x1xf32>
    %squeeze3A_79 = vector.extract %slice3A_78[0, 0] : f32 from vector<1x1xf32>
    %eq3A_80 = arith.constant 3 : i32
    %eq3A_81 = vector.broadcast %eq3A_80 : i32 to vector<1x128xi32>
    %eq3A_82 = arith.cmpi eq, %select_n3A, %eq3A_81 : vector<1x128xi32>
    %jit3A_83 = arith.constant 0.000000e+00 : f32
    %broadcast_in_dim3A_84 = vector.broadcast %jit3A_83 : f32 to vector<1x128xf32>
    %select_n3A_85 = arith.select %eq3A_82, %broadcast_in_dim3A, %broadcast_in_dim3A_84 : vector<1x128xi1>, vector<1x128xf32>
    %reduce_sum3A_86 = vector.shape_cast %select_n3A_85 : vector<1x128xf32> to vector<1x1x128xf32>
    %reduce_sum3A_87 = arith.constant dense<0.000000e+00> : vector<1xf32>
    %reduce_sum3A_88 = vector.multi_reduction <add>, %reduce_sum3A_86, %reduce_sum3A_87 [1, 2] : vector<1x1x128xf32> to vector<1xf32>
    %reduce_sum3A_89 = vector.shape_cast %reduce_sum3A_88 : vector<1xf32> to vector<1x1x1xf32>
    %reduce_sum3A_90 = vector.extract %reduce_sum3A_89[0, 0, 0] : f32 from vector<1x1x1xf32>
    %mul3A_91 = arith.mulf %squeeze3A_79, %reduce_sum3A_90 : f32
    %add3A_92 = arith.addf %add3A_77, %mul3A_91 : f32
    %slice3A_93 = vector.extract_strided_slice %add3A_12 {offsets = [4, 0], sizes = [1, 1], strides = [1, 1]} : vector<8x1xf32> to vector<1x1xf32>
    %squeeze3A_94 = vector.extract %slice3A_93[0, 0] : f32 from vector<1x1xf32>
    %eq3A_95 = arith.constant 4 : i32
    %eq3A_96 = vector.broadcast %eq3A_95 : i32 to vector<1x128xi32>
    %eq3A_97 = arith.cmpi eq, %select_n3A, %eq3A_96 : vector<1x128xi32>
    %jit3A_98 = arith.constant 0.000000e+00 : f32
    %broadcast_in_dim3A_99 = vector.broadcast %jit3A_98 : f32 to vector<1x128xf32>
    %select_n3A_100 = arith.select %eq3A_97, %broadcast_in_dim3A, %broadcast_in_dim3A_99 : vector<1x128xi1>, vector<1x128xf32>
    %reduce_sum3A_101 = vector.shape_cast %select_n3A_100 : vector<1x128xf32> to vector<1x1x128xf32>
    %reduce_sum3A_102 = arith.constant dense<0.000000e+00> : vector<1xf32>
    %reduce_sum3A_103 = vector.multi_reduction <add>, %reduce_sum3A_101, %reduce_sum3A_102 [1, 2] : vector<1x1x128xf32> to vector<1xf32>
    %reduce_sum3A_104 = vector.shape_cast %reduce_sum3A_103 : vector<1xf32> to vector<1x1x1xf32>
    %reduce_sum3A_105 = vector.extract %reduce_sum3A_104[0, 0, 0] : f32 from vector<1x1x1xf32>
    %mul3A_106 = arith.mulf %squeeze3A_94, %reduce_sum3A_105 : f32
    %add3A_107 = arith.addf %add3A_92, %mul3A_106 : f32
    %slice3A_108 = vector.extract_strided_slice %add3A_12 {offsets = [5, 0], sizes = [1, 1], strides = [1, 1]} : vector<8x1xf32> to vector<1x1xf32>
    %squeeze3A_109 = vector.extract %slice3A_108[0, 0] : f32 from vector<1x1xf32>
    %eq3A_110 = arith.constant 5 : i32
    %eq3A_111 = vector.broadcast %eq3A_110 : i32 to vector<1x128xi32>
    %eq3A_112 = arith.cmpi eq, %select_n3A, %eq3A_111 : vector<1x128xi32>
    %jit3A_113 = arith.constant 0.000000e+00 : f32
    %broadcast_in_dim3A_114 = vector.broadcast %jit3A_113 : f32 to vector<1x128xf32>
    %select_n3A_115 = arith.select %eq3A_112, %broadcast_in_dim3A, %broadcast_in_dim3A_114 : vector<1x128xi1>, vector<1x128xf32>
    %reduce_sum3A_116 = vector.shape_cast %select_n3A_115 : vector<1x128xf32> to vector<1x1x128xf32>
    %reduce_sum3A_117 = arith.constant dense<0.000000e+00> : vector<1xf32>
    %reduce_sum3A_118 = vector.multi_reduction <add>, %reduce_sum3A_116, %reduce_sum3A_117 [1, 2] : vector<1x1x128xf32> to vector<1xf32>
    %reduce_sum3A_119 = vector.shape_cast %reduce_sum3A_118 : vector<1xf32> to vector<1x1x1xf32>
    %reduce_sum3A_120 = vector.extract %reduce_sum3A_119[0, 0, 0] : f32 from vector<1x1x1xf32>
    %mul3A_121 = arith.mulf %squeeze3A_109, %reduce_sum3A_120 : f32
    %add3A_122 = arith.addf %add3A_107, %mul3A_121 : f32
    %slice3A_123 = vector.extract_strided_slice %add3A_12 {offsets = [6, 0], sizes = [1, 1], strides = [1, 1]} : vector<8x1xf32> to vector<1x1xf32>
    %squeeze3A_124 = vector.extract %slice3A_123[0, 0] : f32 from vector<1x1xf32>
    %eq3A_125 = arith.constant 6 : i32
    %eq3A_126 = vector.broadcast %eq3A_125 : i32 to vector<1x128xi32>
    %eq3A_127 = arith.cmpi eq, %select_n3A, %eq3A_126 : vector<1x128xi32>
    %jit3A_128 = arith.constant 0.000000e+00 : f32
    %broadcast_in_dim3A_129 = vector.broadcast %jit3A_128 : f32 to vector<1x128xf32>
    %select_n3A_130 = arith.select %eq3A_127, %broadcast_in_dim3A, %broadcast_in_dim3A_129 : vector<1x128xi1>, vector<1x128xf32>
    %reduce_sum3A_131 = vector.shape_cast %select_n3A_130 : vector<1x128xf32> to vector<1x1x128xf32>
    %reduce_sum3A_132 = arith.constant dense<0.000000e+00> : vector<1xf32>
    %reduce_sum3A_133 = vector.multi_reduction <add>, %reduce_sum3A_131, %reduce_sum3A_132 [1, 2] : vector<1x1x128xf32> to vector<1xf32>
    %reduce_sum3A_134 = vector.shape_cast %reduce_sum3A_133 : vector<1xf32> to vector<1x1x1xf32>
    %reduce_sum3A_135 = vector.extract %reduce_sum3A_134[0, 0, 0] : f32 from vector<1x1x1xf32>
    %mul3A_136 = arith.mulf %squeeze3A_124, %reduce_sum3A_135 : f32
    %add3A_137 = arith.addf %add3A_122, %mul3A_136 : f32
    %slice3A_138 = vector.extract_strided_slice %add3A_12 {offsets = [7, 0], sizes = [1, 1], strides = [1, 1]} : vector<8x1xf32> to vector<1x1xf32>
    %squeeze3A_139 = vector.extract %slice3A_138[0, 0] : f32 from vector<1x1xf32>
    %eq3A_140 = arith.constant 7 : i32
    %eq3A_141 = vector.broadcast %eq3A_140 : i32 to vector<1x128xi32>
    %eq3A_142 = arith.cmpi eq, %select_n3A, %eq3A_141 : vector<1x128xi32>
    %jit3A_143 = arith.constant 0.000000e+00 : f32
    %broadcast_in_dim3A_144 = vector.broadcast %jit3A_143 : f32 to vector<1x128xf32>
    %select_n3A_145 = arith.select %eq3A_142, %broadcast_in_dim3A, %broadcast_in_dim3A_144 : vector<1x128xi1>, vector<1x128xf32>
    %reduce_sum3A_146 = vector.shape_cast %select_n3A_145 : vector<1x128xf32> to vector<1x1x128xf32>
    %reduce_sum3A_147 = arith.constant dense<0.000000e+00> : vector<1xf32>
    %reduce_sum3A_148 = vector.multi_reduction <add>, %reduce_sum3A_146, %reduce_sum3A_147 [1, 2] : vector<1x1x128xf32> to vector<1xf32>
    %reduce_sum3A_149 = vector.shape_cast %reduce_sum3A_148 : vector<1xf32> to vector<1x1x1xf32>
    %reduce_sum3A_150 = vector.extract %reduce_sum3A_149[0, 0, 0] : f32 from vector<1x1x1xf32>
    %mul3A_151 = arith.mulf %squeeze3A_139, %reduce_sum3A_150 : f32
    %add3A_152 = arith.addf %add3A_137, %mul3A_151 : f32
    %mul3A_153 = arith.constant 3.72529022E-11 : f32
    %mul3A_154 = arith.mulf %add3A_152, %mul3A_153 : f32
    %broadcast_in_dim3A_155 = vector.broadcast %mul3A_154 : f32 to vector<1x1xf32>
    %swap3A = arith.constant 0 : index
    %swap3A_156 = arith.constant 0 : index
    %swap3A_157 = vector.load %arg7[%swap3A, %swap3A_156] : memref<1x1xf32, #tpu.memory_space<vmem>>, vector<1x1xf32>
    tpu.vector_store %arg7[%swap3A, %swap3A_156], %broadcast_in_dim3A_155 {strides = array<i32>} : memref<1x1xf32, #tpu.memory_space<vmem>>, vector<1x1xf32>,
    %get3A_158 = arith.constant 0 : index
    %get3A_159 = arith.constant 0 : index
    %get3A_160 = vector.load %arg4[%get3A_158, %get3A_159] : memref<1x1xf32, #tpu.memory_space<vmem>>, vector<1x1xf32>
    %get3A_161 = arith.constant 0 : index
    %get3A_162 = arith.constant 0 : index
    %get3A_163 = vector.load %arg5[%get3A_161, %get3A_162] : memref<1x1xf32, #tpu.memory_space<vmem>>, vector<1x1xf32>
    %add3A_164 = arith.addf %get3A_160, %get3A_163 : vector<1x1xf32>
    %mul3A_165 = arith.constant 3.05175796E-8 : f32
    %mul3A_166 = vector.broadcast %mul3A_165 : f32 to vector<1x1xf32>
    %mul3A_167 = arith.mulf %add3A_164, %mul3A_166 : vector<1x1xf32>
    %swap3A_168 = arith.constant 0 : index
    %swap3A_169 = arith.constant 0 : index
    %swap3A_170 = vector.load %arg6[%swap3A_168, %swap3A_169] : memref<1x1xf32, #tpu.memory_space<vmem>>, vector<1x1xf32>
    tpu.vector_store %arg6[%swap3A_168, %swap3A_169], %mul3A_167 {strides = array<i32>} : memref<1x1xf32, #tpu.memory_space<vmem>>, vector<1x1xf32>,
    return
  }
}

</mosaic_0001>

<sc_bundles>
// kernel: kernel.10.cloned.1.call-start
scs
__scs_entry_jumppad:
0x0: {  	(pc) =	sbr.rel $0x88, $3  }
0x1: {  	(tag) =	ssettag $0x0;
	lr =	simm.s32 $0x1  }
0x2: {  	[smem:$0x3F9F] =	sst lr;
	_ =	strace $0xD0000000  }
0x3: {  	_ = 	snop  }
0x4: {  	_ = 	snop  }
0x5: {  	_ = 	snop  }
0x6: {  	_ = 	snop  }
0x7: {  	_ = 	snop  }
__scs_overlays_trampoline_lowered:
0x8: {  	[smem:$0x3FAE] =	sst s0  }
0x9: {  	[smem:$0x3FAF] =	sst s1  }
0xa: {  	[smem:$0x3FB0] =	sst s2  }
0xb: {  	[smem:$0x3FB1] =	sst s3  }
0xc: {  	[smem:$0x3FB2] =	sst s4  }
0xd: {  	[smem:$0x3FB3] =	sst s5  }
0xe: {  	[smem:$0x3FB4] =	sst s6  }
0xf: {  	[smem:$0x3FB5] =	sst s7  }
0x10: {  	[smem:$0x3FB6] =	sst s8  }
0x11: {  	[smem:$0x3FB7] =	sst s9;
	s0 =	simm.s32 @!p0 $0x0  }
0x12: {  	s1 =	sld [smem:$0x3F9D];
	s0 =	simm.s32 @p0 $0x1  }
0x13: {  	[smem:$0x3FB8] =	sst s0;
	s0 =	simm.s32 @!p1 $0x0  }
0x14: {  	s2 =	sld [smem:$0x3F9C];
	s0 =	simm.s32 @p1 $0x1  }
0x15: {  	[smem:$0x3FB9] =	sst s0;
	s0 =	simm.s32 @!p2 $0x0  }
0x16: {  	s3 =	sld [smem:$0x3FDB];
	s0 =	simm.s32 @p2 $0x1  }
0x17: {  	s4 =	simm.s32 $0x1BF5;
	[smem:$0x3FBB] =	sst s0  }
0x18: {  	s0 =	sld [smem:$0x3F9E];
	_ =	swait.ge [sflag:s4], $0x0  }
0x19: {  	s7 =	sld [smem:$0x3F9F]  }
0x1a: {  	s8 =	sadd.s32 $0xFFFFE003, lr  }
0x1b: {  	s9 =	sadd.s32 $0xFFFFFEF7, lr;
	s5 =	simm.s32 $0xFFFFFFFF;
	p2 =	slt.u32 s8, $0xFFFFF086  }
0x1c: {  	p1 =	slt.u32 s9, $0xF7A;
	s5 =	simm.s32 @!p2 $0x0  }
0x1d: {  	s5 =	simm.s32 @p1 $0x1;
	p0 =	seq.s32 s7, s2  }
0x1e: {  	s7 =	smul.u32 @!p0 $0xF7A, s2;
	p2 =	seq.s32 @!p0 s5, $0x0  }
0x1f: {  	s9 =	smul.u32 $0xF7A, s1;
	s8 =	simm.s32 @!p0 $0x1BF5;
	p2 =	por !p2, p0  }
0x20: {  	[sflag:s8] =	ssyncset.s32 @!p0 $0xFFFFF086;
	s6 =	sadd.s32 @!p0 s3, s7;
	s7 =	simm.s32 @!p0 $0x108  }
0x21: {  	s3 =	sadd.s32 s3, s9;
	s6 =	sadd.s32 @!p0 $0x88, s6;
	s7 =	simm.s32 @p2 $0x1082  }
0x22: {  	[simem:s7], [sflag:s8] =	dma.local @!p0 [hbm:s6], $0xF7A  }
0x23: {  	s9 =	sor.u32 $0xD0000000, s2;
	s6 =	simm.s32 $0x108;
	_ =	swait.ge @!p0 [sflag:s8], $0x0  }
0x24: {  	s3 =	sadd.s32 $0x88, s3;
	s6 =	simm.s32 @!p1 $0x1082;
	[sflag:s4] =	ssyncset.s32 $0xFFFFF086  }
0x25: {  	[simem:s6], [sflag:s4] =	dma.local [hbm:s3], $0xF7A  }
0x26: {  	[smem:$0x3F9F] =	sst s1;
	(tag) =	ssettag s2;
	_ =	strace s9  }
0x27: {  	s1 =	sld [smem:$0x3FAF]  }
0x28: {  	s2 =	sld [smem:$0x3FB0]  }
0x29: {  	s4 =	sld [smem:$0x3FB2]  }
0x2a: {  	p0 =	seq.s32 s5, $0x0;
	s5 =	sld [smem:$0x3FB3]  }
0x2b: {  	s6 =	sld [smem:$0x3FB4]  }
0x2c: {  	s7 =	sld [smem:$0x3FB5]  }
0x2d: {  	s3 =	simm.s32 $0x108;
	s8 =	sld [smem:$0x3FB6]  }
0x2e: {  	s3 =	simm.s32 @!p0 $0x1082;
	s9 =	sld [smem:$0x3FB7]  }
0x2f: {  	lr =	sadd.s32 s0, s3;
	s0 =	sld [smem:$0x3FAE]  }
0x30: {  	s3 =	sld [smem:$0x3FB1]  }
0x31: {  	[smem:$0x3FBA] =	sst s10  }
0x32: {  	s10 =	sld [smem:$0x3FB8];
	_ =	sdelay $0x3  }
0x33: {  	p0 =	seq.s32 s10, $0x1;
	s10 =	sld [smem:$0x3FBA];
	_ =	sdelay $0x3  }
0x34: {  	[smem:$0x3FBA] =	sst s10  }
0x35: {  	s10 =	sld [smem:$0x3FB9];
	_ =	sdelay $0x3  }
0x36: {  	p1 =	seq.s32 s10, $0x1;
	s10 =	sld [smem:$0x3FBA];
	_ =	sdelay $0x3  }
0x37: {  	[smem:$0x3FBA] =	sst s10  }
0x38: {  	s10 =	sld [smem:$0x3FBB]  }
0x39: {  	_ = 	snop;
	(pc) =	sbr.ind lr, $3  }
0x3a: {  	_ = 	snop  }
0x3b: {  	_ = 	snop  }
0x3c: {  	p2 =	seq.s32 s10, $0x1;
	s10 =	sld [smem:$0x3FBA]  }
0x3d: {  	_ =	shalt  }
0x3e: {  	_ =	shalt  }
0x3f: {  	_ =	shalt  }
0x40: {  	_ =	shalt  }
0x41: {  	_ =	shalt  }
0x42: {  	_ =	shalt  }
0x43: {  	_ =	shalt  }
0x44: {  	_ =	shalt  }
0x45: {  	_ =	shalt  }
0x46: {  	_ =	shalt  }
0x47: {  	_ =	shalt  }
0x48: {  	_ =	shalt  }
0x49: {  	_ =	shalt  }
0x4a: {  	_ =	shalt  }
0x4b: {  	_ =	shalt  }
0x4c: {  	_ =	shalt  }
0x4d: {  	_ =	shalt  }
0x4e: {  	_ =	shalt  }
0x4f: {  	_ =	shalt  }
0x50: {  	_ =	shalt  }
0x51: {  	_ =	shalt  }
0x52: {  	_ =	shalt  }
0x53: {  	_ =	shalt  }
0x54: {  	_ =	shalt  }
0x55: {  	_ =	shalt  }
0x56: {  	_ =	shalt  }
0x57: {  	_ =	shalt  }
0x58: {  	_ =	shalt  }
0x59: {  	_ =	shalt  }
0x5a: {  	_ =	shalt  }
0x5b: {  	_ =	shalt  }
0x5c: {  	_ =	shalt  }
0x5d: {  	_ =	shalt  }
0x5e: {  	_ =	shalt  }
0x5f: {  	_ =	shalt  }
0x60: {  	_ =	shalt  }
0x61: {  	_ =	shalt  }
0x62: {  	_ =	shalt  }
0x63: {  	_ =	shalt  }
0x64: {  	_ =	shalt  }
0x65: {  	_ =	shalt  }
0x66: {  	_ =	shalt  }
0x67: {  	_ =	shalt  }
0x68: {  	_ =	shalt  }
0x69: {  	_ =	shalt  }
0x6a: {  	_ =	shalt  }
0x6b: {  	_ =	shalt  }
0x6c: {  	_ =	shalt  }
0x6d: {  	_ =	shalt  }
0x6e: {  	_ =	shalt  }
0x6f: {  	_ =	shalt  }
0x70: {  	_ =	shalt  }
0x71: {  	_ =	shalt  }
0x72: {  	_ =	shalt  }
0x73: {  	_ =	shalt  }
0x74: {  	_ =	shalt  }
0x75: {  	_ =	shalt  }
0x76: {  	_ =	shalt  }
0x77: {  	_ =	shalt  }
0x78: {  	_ =	shalt  }
0x79: {  	_ =	shalt  }
0x7a: {  	_ =	shalt  }
0x7b: {  	_ =	shalt  }
0x7c: {  	_ =	shalt  }
0x7d: {  	_ =	shalt  }
0x7e: {  	_ =	shalt  }
0x7f: {  	_ =	shalt  }
0x80: {  	_ =	shalt  }
0x81: {  	_ =	shalt  }
0x82: {  	_ =	shalt  }
0x83: {  	_ =	shalt  }
0x84: {  	_ =	shalt  }
0x85: {  	_ =	shalt  }
0x86: {  	_ =	shalt  }
0x87: {  	_ =	shalt  }
.Lfunc_end0:
.L_simem_size_0:
called_computation.1_lowered:
.L_overlay_start_0:
0x88: {  	s2 =	sld [smem:$0x3FD9]  }
0x89: {  	s3 =	sld [smem:$0x3FFE];
	_ =	sdelay $0x1  }
0x8a: {  	s1 =	srdreg.scid  }
0x8b: {  	s0 =	sand.u32 $0x1, s1  }
0x8c: {  	s16 =	sshll.u32 s0, $0xA;
	s2 =	sadd.s32 s3, s2  }
0x8d: {  	s2 =	sadd.s32 s2, s16  }
0x8e: {  	[smem:$0x3FC6] =	sst s2  }
0x8f: {  	_ = 	snop  }
0x90: {  	(tm) =	ssettm $0x1  }
0x91: {  	s17 =	sld [smem:$0x3FFB];
	_ =	sdelay $0x3  }
0x92: {  	_ =	strace s17  }
0x93: {  	s2 =	sld [smem:$0x3FFC];
	_ =	sdelay $0x3  }
0x94: {  	_ =	strace s2  }
0x95: {  	s2 =	sld [smem:$0x3FFD];
	_ =	sdelay $0x3  }
0x96: {  	_ =	strace s2  }
0x97: {  	_ =	strace $0x8FFFFFFF  }
0x98: {  	s18 =	sld [smem:$0x3FDB];
	_ =	sdelay $0x1  }
0x99: {  	s19 =	simm.s32 $_scs_section_size  }
0x9a: {  	s4 =	simm.s32 $_size__tile_overlayer_lowered;
	s5 =	simm.s32 $_tile_overlayer_lowered  }
0x9b: {  	s22 =	simm.s32 $0x1BFF;
	s21 =	sshll.u32 s5, $0x1;
	s2 =	sadd.s32 s19, s18  }
0x9c: {  	s6 =	simm.s32 $0x0;
	s20 =	sshll.u32 s4, $0x1;
	s4 =	sadd.s32 s21, s2  }
0x9d: {  	[timem:s6], [sflag:s22] =	dma.local [hbm:s4], s20  }
0x9e: {  	_ =	swait.ge [sflag:s22], s20  }
0x9f: {  	s3 =	ssub.s32 $0x0, s20;
	[sflag:s22] =	ssyncset.done $0x0  }
0xa0: {  	[sflag:s22] =	ssyncadd.s32 s3;
	_ =	sdelay $0x1  }
0xa1: {  	s23 =	simm.s32 $0x1B8B  }
0xa2: {  	_ =	swait.ge [sflag:s23], $0x1  }
0xa3: {  	[sflag:s23] =	ssyncset.done $0x0  }
0xa4: {  	s25 =	simm.s32 $0x1B8E;
	s24 =	sld [smem:$0x3FFE];
	[sflag:s23] =	ssyncadd.s32 $0xFFFFFFFF  }
0xa5: {  	s26 =	simm.s32 $execute0_lowered;
	[smem:$0x3FD2] =	sst s25  }
0xa6: {  	s4 =	sshll.u32 s26, $0x1;
	_ =	strace $0x80000046;
	[dreg:$0x1] =	wrdreg $0xFFFFFFFF  }
0xa7: {  	s28 =	simm.s32 $_size_execute0_lowered;
	s2 =	sadd.s32 s2, s4;
	[dreg:$0x0] =	wrdreg $0x0  }
0xa8: {  	s4 =	sshll.u32 s28, $0x1;
	[dreg:$0x2] =	wrdreg s2  }
0xa9: {  	[dreg:$0x3] =	wrdreg s4  }
0xaa: {  	[dreg:$0x4] =	wrdreg $0xC0  }
0xab: {  	_ =	task [dreg:s6], $0x5FFFF  }
0xac: {  	[dreg:$0x1] =	wrdreg $0xFFFFFFFF  }
0xad: {  	[dreg:$0x0] =	wrdreg $0x60  }
0xae: {  	[dreg:$0x2] =	wrdreg s24  }
0xaf: {  	[dreg:$0x3] =	wrdreg $0xA  }
0xb0: {  	_ =	task.clear_ibuf [dreg:s6], $0x4FFFF;
	_ =	strace $0x90000046  }
0xb1: {  	s29 =	simm.s32 $0xA;
	_ =	strace $0x80000048  }
0xb2: {  	_ =	swait.ge [sflag:s29], $0x1  }
0xb3: {  	[sflag:s29] =	ssyncadd.s32 $0xFFFFFFFF  }
0xb4: {  	_ =	strace $0x90000048  }
0xb5: {  	_ =	sfence  }
0xb6: {  	s30 =	sld [smem:$0x0];
	_ =	sdelay $0x2  }
0xb7: {  	s31 =	sshll.u32 s1, $0xD;
	s1 =	sshrl.u32 s1, $0x2  }
0xb8: {  	s3 =	sand.u32 $0x4000, s31;
	s1 =	sadd.s32 s1, s30  }
0xb9: {  	s0 =	sor.u32 s3, s0;
	s1 =	sshll.u32 s1, $0x11  }
0xba: {  	s0 =	sor.u32 s1, s0  }
0xbb: {  	s0 =	sadd.s32 $0x8F2B, s0  }
0xbc: {  	[sflag:s0] =	ssyncadd.remote.s32 $0x1  }
0xbd: {  	_ =	sfence.sel $0xFFFF  }
0xbe: {  	[dreg:$0x0] =	wrdreg $0xFFFFFFFF;
	(pc) =	sbr.abs _section_cstart, $3  }
0xbf: {  	[dreg:$0x1] =	wrdreg $0xFFFFFFFF  }
0xc0: {  	_ =	task.clear_ibuf [dreg:s6], $0x2FFFF;
	_ =	strace $0x9FFFFFFF  }
0xc1: {  	(tm) =	ssettm $0x7FFFFFFF  }
tec
execute0_lowered:
.L_overlay_start_1:
0x0: {  	(tag) =	ssettag $0x1  }
0x1: {  	s3 =	rddreg [dreg:$0x0]  }
0x2: {  	s0 =	rddreg [dreg:$0x1]  }
0x3: {  	s4 =	srdreg.scid;
	s1 =	stileid.u32;
	s2 =	simm.s32 $0x0  }
0x4: {  	s10 =	simm.s32 $0x1400;
	s11 =	simm.s32 $0x1800;
	s12 =	simm.s32 $0x0  }
0x5: {  	s4 =	sand.u32 $0x1, s4;
	s5 =	sshll.u32 s1, $0x1;
	[smem:$0x7FF] =	sst s2  }
0x6: {  	s5 =	sor.u32 s4, s5;
	_ =	strace $0x80000047;
	s4 =	ssub.s32 $0x2, s4  }
0x7: {  	s6 =	sshll.u32 s5, $0x9;
	s7 =	sshll.u32 s5, $0x7;
	s5 =	sshll.u32 s5, $0x4  }
0x8: {  	s8 =	sshrl.u32 s4, $0x1;
	s6 =	sadd.s32 s6, s3;
	s7 =	sadd.s32 s7, s3  }
0x9: {  	s9 =	sadd.s32 s5, s3;
	s8 =	ssub.s32 s4, s8;
	s3 =	sadd.s32 $0x2200, s6  }
0xa: {  	s4 =	sadd.s32 $0x6200, s7;
	s5 =	sadd.s32 $0x7200, s7;
	s6 =	sadd.s32 $0x8200, s9  }
0xb: {  	v0 =	vimm.s32 $0x8;
	v1 =	vimm.f32 $1.000000000e+00;
	v2 =	vimm.f32 $0.0e+00;
	s7 =	smax.u32 s8, $0x1;
	s8 =	simm.s32 $0x1;
	s9 =	simm.s32 $0x1000  }
.LBB2_1:
0xc: {  	[tilespmem:s2], [sflag:$0x1] =	stream.linear.gather [hbm4b:s3+s2], $0x1000, $0x38;
	[tilespmem:$0x1880] =	vst v63  }
0xd: {  	s14 =	simm.s32 $0x0;
	_ =	swait.ge [sflag:s8], $0x1000  }
0xe: {  	s13 =	sand.u32 $0x70, s2;
	s14 =	sand.u32 $0x3FFFFC00, s14;
	[sflag:s8] =	ssyncset.done $0x0  }
0xf: {  	s14 =	sor.u32 s13, s14;
	[sflag:s8] =	ssyncadd.s32 $0xFFFFF000  }
0x10: {  	v13 =	vld [tilespmem:s14+$0x0]  }
0x11: {  	v11 =	vld [tilespmem:s14+$0x80]  }
0x12: {  	v14 =	vld [tilespmem:s14+$0x100]  }
0x13: {  	v12 =	vld [tilespmem:s14+$0x180]  }
0x14: {  	v17 =	vld [tilespmem:s14+$0x200]  }
0x15: {  	v15 =	vld [tilespmem:s14+$0x280]  }
0x16: {  	v16 =	vld [tilespmem:s14+$0x300];
	v3 =	vmax.f32 v13, v11  }
0x17: {  	v18 =	vld [tilespmem:s14+$0x380];
	v3 =	vmax.f32 v3, v14  }
0x18: {  	v3 =	vmax.f32 v3, v12  }
0x19: {  	v3 =	vmax.f32 v3, v17  }
0x1a: {  	v3 =	vmax.f32 v3, v15  }
0x1b: {  	v3 =	vmax.f32 v3, v16  }
0x1c: {  	v19 =	vmax.f32 v3, v18  }
0x1d: {  	v10 =	vimm.f32 $0.0e+00;
	v3 =	vsub.f32 v13, v19  }
0x1e: {  	v9 =	vimm.f32 $0.0e+00;
	v4 =	vsub.f32 v11, v19;
	v6 =	vsub.f32 v14, v19  }
0x1f: {  	vm0 =	veq.f32 v18, v19;
	v7 =	vsub.f32 v12, v19;
	v8 =	vsub.f32 v17, v19  }
0x20: {  	vm1 =	veq.f32 v16, v19;
	vm3 =	veq.f32 v14, v19;
	vm2 =	veq.f32 v11, v19  }
0x21: {  	v22 =	vsub.f32 v18, v19;
	v3 =	vmul.f32 $1.442695020e+00, v3;
	v4 =	vmul.f32 $1.442695020e+00, v4  }
0x22: {  	v5 =	vsel vm0, $0x7, v0;
	v6 =	vmul.f32 $1.442695020e+00, v6;
	v7 =	vmul.f32 $1.442695020e+00, v7  }
0x23: {  	vm0 =	veq.f32 v15, v19;
	v8 =	vmul.f32 $1.442695020e+00, v8;
	(erf) = vpow2.f32 v3  }
0x24: {  	v3 =	vsel vm1, $0x6, v5;
	vm1 =	veq.f32 v17, v19;
	v5 =	vsub.f32 v16, v19  }
0x25: {  	(erf) = vpow2.f32 v4;
	v3 =	vsel vm0, $0x5, v3;
	vm0 =	veq.f32 v12, v19  }
0x26: {  	v4 =	vsub.f32 v15, v19;
	v3 =	vsel vm1, $0x4, v3;
	(erf) = vpow2.f32 v6  }
0x27: {  	v21 =	vmul.f32 $1.442695020e+00, v5;
	v5 =	vimm.f32 $0.0e+00;
	v6 =	vimm.f32 $0.0e+00  }
0x28: {  	v3 =	vsel vm0, $0x3, v3;
	(erf) = vpow2.f32 v7;
	vm0 =	vne.f32 v13, v19  }
0x29: {  	v23 =	vmul.f32 $1.442695020e+00, v4;
	v4 =	vimm.f32 $0.0e+00;
	v3 =	vsel vm3, $0x2, v3  }
0x2a: {  	v7 =	vimm.f32 $0.0e+00;
	(erf) = vpow2.f32 v8;
	v3 =	vsel vm2, $0x1, v3  }
0x2b: {  	s15 =	simm.s32 $0x1;
	s16 =	simm.s32 $0x0;
	s14 =	simm.s32 $0x0;
	v8 =	vimm.f32 $0.0e+00;
	v20 =	vnsel vm0, $0x0, v3;
	v3 =	vimm.f32 $0.0e+00  }
.LBB2_2:
0x2c: {  	p0 =	sne.s32 s15, $0x1F  }
0x2d: {  	v24 =	vnsel vm0, $0xFF61B1E6, v13;
	v22 =	vmul.f32 $1.442695020e+00, v22;
	s16 =	sadd.s32 $0x10, s16;
	s18 =	smov.u32 s15;
	s15 =	sadd.s32 $0x1, s15  }
0x2e: {  	v25 =	vpop (erf);
	(erf) = vpow2.f32 v23  }
0x2f: {  	vm3 =	vne.s32 v20, $0x4;
	vm1 =	vne.s32 v20, $0x2;
	v23 =	vpop (erf);
	(erf) = vpow2.f32 v22  }
0x30: {  	vm4 =	vne.s32 v20, $0x3;
	v22 =	vadd.f32 v23, v25;
	(erf) = vpow2.f32 v21  }
0x31: {  	vm2 =	vmand vm0, vm2;
	vm5 =	veq.s32 v20, $0x4;
	vm6 =	veq.s32 v20, $0x6;
	v21 =	vpop (erf)  }
0x32: {  	vm7 =	veq.s32 v20, $0x2;
	s17 =	sshll.u32 s18, $0x7;
	v22 =	vadd.f32 v22, v21;
	v21 =	vsel vm5, $0x3F800000, v2  }
0x33: {  	vm8 =	veq.s32 v20, $0x3;
	s19 =	sand.u32 $0x70, s16;
	s17 =	sand.u32 $0x3FFFFC00, s17;
	v23 =	vsel vm7, $0xFF61B1E6, v14;
	v25 =	vsel vm6, $0x3F800000, v2;
	v26 =	vpop (erf)  }
0x34: {  	v27 =	vsel vm8, $0xFF61B1E6, v12;
	s17 =	sor.u32 s19, s17;
	v22 =	vadd.f32 v22, v26;
	v26 =	vsel vm2, $0x3F800000, v2  }
0x35: {  	v28 =	vsel vm2, $0xFF61B1E6, v11;
	v29 =	vsel vm5, $0xFF61B1E6, v17;
	vm5 =	veq.s32 v20, $0x5;
	v30 =	vpop (erf)  }
0x36: {  	v24 =	vmax.f32 v24, v28;
	v28 =	vsel vm5, $0xFF61B1E6, v15;
	v22 =	vadd.f32 v22, v30  }
0x37: {  	v23 =	vmax.f32 v24, v23;
	v24 =	vsel vm6, $0xFF61B1E6, v16;
	vm6 =	veq.s32 v20, $0x7;
	v30 =	vpop (erf)  }
0x38: {  	v23 =	vmax.f32 v23, v27;
	v27 =	vsel vm6, $0xFF61B1E6, v18;
	v22 =	vadd.f32 v22, v30;
	v30 =	vpop (erf)  }
0x39: {  	vm10 =	vne.s32 v20, $0x7;
	vm11 =	vne.s32 v20, $0x6;
	v23 =	vmax.f32 v23, v29;
	v29 =	vpop (erf)  }
0x3a: {  	vm9 =	vne.s32 v20, $0x5;
	v23 =	vmax.f32 v23, v28;
	v22 =	vadd.f32 v22, v29  }
0x3b: {  	v28 =	vsel vm8, $0x3F800000, v2;
	v23 =	vmax.f32 v23, v24;
	v24 =	vsel vm7, $0x3F800000, v2  }
0x3c: {  	v23 =	vmax.f32 v23, v27;
	v22 =	vadd.f32 v22, v30  }
0x3d: {  	vm7 =	veq.f32 v18, v23;
	vm8 =	veq.f32 v17, v23;
	v17 =	vsub.f32 v23, v19  }
0x3e: {  	s20 =	sshll.u32 s14, $0x5;
	s14 =	smov.u32 s18;
	vm12 =	veq.f32 v14, v23;
	vm7 =	vmand vm10, vm7;
	vm10 =	veq.f32 v16, v23  }
0x3f: {  	s18 =	sand.u32 $0xFFFFFF00, s20;
	v14 =	vsel vm7, $0x7, v0;
	vm7 =	veq.f32 v13, v23;
	v13 =	vmul.f32 $1.442695020e+00, v17  }
0x40: {  	s18 =	sor.u32 s13, s18;
	s13 =	smov.u32 s19;
	vm10 =	vmand vm11, vm10;
	vm11 =	veq.f32 v15, v23;
	(erf) = vrcp.f32 v22  }
0x41: {  	v14 =	vsel vm10, $0x6, v14;
	vm10 =	vne.f32 v11, v23;
	[tilespmem:s18+$0x1400] =	vst v20;
	(erf) = vpow2.f32 v13  }
0x42: {  	vm3 =	vmand vm3, vm8;
	vm8 =	veq.f32 v12, v23;
	vm9 =	vmand vm9, vm11  }
0x43: {  	vm4 =	vmand vm4, vm8;
	vm7 =	vmand vm0, vm7;
	v11 =	vsel vm9, $0x5, v14  }
0x44: {  	vm1 =	vmand vm1, vm12;
	v12 =	vsel vm0, $0x0, v1;
	v11 =	vsel vm3, $0x4, v11  }
0x45: {  	vm0 =	vmor vm2, vm10;
	v11 =	vsel vm4, $0x3, v11;
	v13 =	vsel vm7, $0x3F800000, v2  }
0x46: {  	v15 =	vsel vm6, $0x3F800000, v2;
	v14 =	vsel vm5, $0x3F800000, v2;
	v11 =	vsel vm1, $0x2, v11  }
0x47: {  	v11 =	vnsel vm0, $0x1, v11;
	vm0 =	vmor vm7, vm0;
	v17 =	vadd.f32 v13, v12  }
0x48: {  	v11 =	vsel vm7, $0x0, v11;
	v13 =	vsel vm0, $0x0, v1  }
0x49: {  	vm1 =	veq.s32 v11, $0x3;
	vm2 =	veq.s32 v11, $0x7;
	vm0 =	veq.s32 v11, $0x2;
	[tilespmem:s18+$0x1480] =	vst v11;
	v16 =	vpop (erf)  }
0x4a: {  	vm3 =	veq.s32 v11, $0x5;
	vm4 =	veq.s32 v11, $0x6;
	v10 =	vadd.f32 v17, v10;
	[tilespmem:s18+$0x1000] =	vst v16;
	v12 =	vpop (erf)  }
0x4b: {  	vm5 =	veq.s32 v11, $0x4;
	v11 =	vsel vm3, $0x3F800000, v2;
	v12 =	vmul.f32 v12, v16  }
0x4c: {  	v17 =	vsel vm4, $0x3F800000, v2;
	v11 =	vadd.f32 v11, v14;
	v16 =	vsel vm0, $0x3F800000, v2  }
0x4d: {  	v14 =	vsel vm2, $0x3F800000, v2;
	[tilespmem:s18+$0x1080] =	vst v12;
	v12 =	vadd.f32 v13, v26;
	v13 =	vadd.f32 v16, v24  }
0x4e: {  	v4 =	vadd.f32 v11, v4;
	v11 =	vadd.f32 v14, v15;
	v16 =	vsel vm5, $0x3F800000, v2  }
0x4f: {  	v17 =	vadd.f32 v17, v25;
	v15 =	vsel vm1, $0x3F800000, v2;
	v14 =	vld [tilespmem:s17+$0x100];
	v7 =	vadd.f32 v13, v7  }
0x50: {  	v18 =	vadd.f32 v15, v28;
	v3 =	vadd.f32 v11, v3;
	v13 =	vld [tilespmem:s17+$0x0]  }
0x51: {  	v5 =	vadd.f32 v17, v5;
	v9 =	vadd.f32 v12, v9;
	v11 =	vld [tilespmem:s17+$0x80]  }
0x52: {  	v16 =	vadd.f32 v16, v21;
	v8 =	vadd.f32 v18, v8;
	v15 =	vld [tilespmem:s17+$0x280]  }
0x53: {  	v12 =	vld [tilespmem:s17+$0x180]  }
0x54: {  	v6 =	vadd.f32 v16, v6;
	v17 =	vld [tilespmem:s17+$0x200]  }
0x55: {  	v16 =	vld [tilespmem:s17+$0x300]  }
0x56: {  	v18 =	vld [tilespmem:s17+$0x380];
	v19 =	vmax.f32 v13, v11  }
0x57: {  	v19 =	vmax.f32 v19, v14  }
0x58: {  	v19 =	vmax.f32 v19, v12  }
0x59: {  	v19 =	vmax.f32 v19, v17  }
0x5a: {  	v19 =	vmax.f32 v19, v15  }
0x5b: {  	v19 =	vmax.f32 v19, v16  }
0x5c: {  	v19 =	vmax.f32 v19, v18  }
0x5d: {  	vm0 =	veq.f32 v18, v19;
	v20 =	vsub.f32 v13, v19;
	v21 =	vsub.f32 v11, v19  }
0x5e: {  	v23 =	vsub.f32 v14, v19;
	v24 =	vsub.f32 v12, v19;
	v22 =	vsel vm0, $0x7, v0  }
0x5f: {  	v25 =	vsub.f32 v17, v19;
	v20 =	vmul.f32 $1.442695020e+00, v20;
	v21 =	vmul.f32 $1.442695020e+00, v21  }
0x60: {  	vm0 =	veq.f32 v15, v19;
	v23 =	vmul.f32 $1.442695020e+00, v23;
	v24 =	vmul.f32 $1.442695020e+00, v24  }
0x61: {  	vm1 =	veq.f32 v16, v19;
	v25 =	vmul.f32 $1.442695020e+00, v25;
	(erf) = vpow2.f32 v20  }
0x62: {  	v20 =	vsel vm1, $0x6, v22;
	vm1 =	veq.f32 v17, v19;
	(erf) = vpow2.f32 v21  }
0x63: {  	vm3 =	veq.f32 v14, v19;
	v20 =	vsel vm0, $0x5, v20;
	vm0 =	veq.f32 v12, v19  }
.Ltmp0:
0x64: {  	vm2 =	veq.f32 v11, v19;
	v20 =	vsel vm1, $0x4, v20;
	(erf) = vpow2.f32 v23;
	(pc) =	sbr.rel @p0 .LBB2_2-.Ltmp0, $4  }
0x65: {  	v26 =	vsub.f32 v16, v19;
	v21 =	vsub.f32 v15, v19;
	v20 =	vsel vm0, $0x3, v20  }
0x66: {  	v22 =	vsub.f32 v18, v19;
	v20 =	vsel vm3, $0x2, v20;
	(erf) = vpow2.f32 v24  }
0x67: {  	vm0 =	vne.f32 v13, v19;
	v23 =	vmul.f32 $1.442695020e+00, v21;
	v20 =	vsel vm2, $0x1, v20  }
0x68: {  	v21 =	vmul.f32 $1.442695020e+00, v26;
	v20 =	vnsel vm0, $0x0, v20;
	(erf) = vpow2.f32 v25  }
0x69: {  	v22 =	vmul.f32 $1.442695020e+00, v22  }
0x6a: {  	v24 =	vnsel vm0, $0xFF61B1E6, v13;
	vm3 =	vne.s32 v20, $0x4;
	vm1 =	vne.s32 v20, $0x2  }
0x6b: {  	vm4 =	vne.s32 v20, $0x3;
	vm2 =	vmand vm0, vm2;
	v25 =	vpop (erf);
	(erf) = vpow2.f32 v23  }
0x6c: {  	vm5 =	veq.s32 v20, $0x4;
	vm6 =	veq.s32 v20, $0x6;
	v58 =	vpop (erf);
	(erf) = vpow2.f32 v22  }
0x6d: {  	vm7 =	veq.s32 v20, $0x2;
	v59 =	vadd.f32 v58, v25;
	(erf) = vpow2.f32 v21  }
0x6e: {  	vm8 =	veq.s32 v20, $0x3;
	vm9 =	vne.s32 v20, $0x7;
	vm10 =	vne.s32 v20, $0x6;
	v60 =	vpop (erf)  }
0x6f: {  	vm11 =	vne.s32 v20, $0x5;
	v47 =	vsel vm0, $0x0, v1;
	v21 =	vadd.f32 v59, v60  }
0x70: {  	v61 =	vsel vm5, $0x3F800000, v2;
	v62 =	vsel vm7, $0xFF61B1E6, v14;
	v28 =	vsel vm2, $0xFF61B1E6, v11;
	v26 =	vpop (erf)  }
0x71: {  	v63 =	vsel vm6, $0x3F800000, v2;
	v24 =	vmax.f32 v24, v28;
	v21 =	vadd.f32 v21, v26  }
0x72: {  	v27 =	vsel vm8, $0xFF61B1E6, v12;
	v29 =	vsel vm5, $0xFF61B1E6, v17;
	v23 =	vmax.f32 v24, v62;
	v30 =	vpop (erf)  }
0x73: {  	vm5 =	veq.s32 v20, $0x5;
	v23 =	vmax.f32 v23, v27;
	v21 =	vadd.f32 v21, v30  }
0x74: {  	v35 =	vsel vm6, $0xFF61B1E6, v16;
	v34 =	vsel vm5, $0xFF61B1E6, v15;
	v23 =	vmax.f32 v23, v29;
	v36 =	vpop (erf)  }
0x75: {  	vm6 =	veq.s32 v20, $0x7;
	v23 =	vmax.f32 v23, v34;
	v21 =	vadd.f32 v21, v36;
	v38 =	vpop (erf)  }
0x76: {  	v33 =	vsel vm2, $0x3F800000, v2;
	v37 =	vsel vm6, $0xFF61B1E6, v18;
	v23 =	vmax.f32 v23, v35;
	v39 =	vpop (erf)  }
0x77: {  	v40 =	vsel vm7, $0x3F800000, v2;
	v23 =	vmax.f32 v23, v37;
	v21 =	vadd.f32 v21, v39  }
0x78: {  	v41 =	vsel vm8, $0x3F800000, v2;
	vm12 =	veq.f32 v18, v23;
	v42 =	vsub.f32 v23, v19  }
0x79: {  	vm8 =	veq.f32 v17, v23;
	vm13 =	veq.f32 v15, v23;
	v21 =	vadd.f32 v21, v38  }
0x7a: {  	vm14 =	vne.f32 v11, v23;
	vm15 =	veq.f32 v12, v23;
	v44 =	vmul.f32 $1.442695020e+00, v42  }
0x7b: {  	vm7 =	vmand vm9, vm12;
	vm9 =	veq.f32 v16, v23;
	(erf) = vrcp.f32 v21  }
0x7c: {  	vm12 =	veq.f32 v14, v23;
	vm3 =	vmand vm3, vm8;
	(erf) = vpow2.f32 v44  }
0x7d: {  	vm4 =	vmand vm4, vm15;
	v43 =	vsel vm7, $0x7, v0;
	vm9 =	vmand vm10, vm9  }
0x7e: {  	vm7 =	veq.f32 v13, v23;
	vm10 =	vmand vm11, vm13;
	v45 =	vsel vm9, $0x6, v43  }
0x7f: {  	vm7 =	vmand vm0, vm7;
	vm9 =	vmor vm2, vm14;
	v46 =	vsel vm10, $0x5, v45  }
0x80: {  	vm1 =	vmand vm1, vm12;
	vm0 =	vmor vm7, vm9;
	v11 =	vsel vm3, $0x4, v46  }
0x81: {  	v48 =	vsel vm7, $0x3F800000, v2;
	v51 =	vsel vm0, $0x0, v1;
	v11 =	vsel vm4, $0x3, v11  }
0x82: {  	s14 =	sshll.u32 s14, $0x5;
	v12 =	vadd.f32 v48, v47;
	v13 =	vadd.f32 v51, v33;
	v11 =	vsel vm1, $0x2, v11  }
0x83: {  	s14 =	sand.u32 $0xFFFFFF00, s14;
	v49 =	vsel vm5, $0x3F800000, v2;
	v50 =	vsel vm6, $0x3F800000, v2;
	v11 =	vnsel vm9, $0x1, v11  }
0x84: {  	s13 =	sor.u32 s13, s14;
	v10 =	vadd.f32 v12, v10;
	v9 =	vadd.f32 v13, v9;
	v11 =	vsel vm7, $0x0, v11;
	v52 =	vpop (erf)  }
0x85: {  	[tilespmem:s13+$0x1400] =	vst v20;
	vm10 =	veq.s32 v11, $0x2;
	vm11 =	veq.s32 v11, $0x3;
	vm12 =	veq.s32 v11, $0x7;
	v53 =	vpop (erf)  }
0x86: {  	vm13 =	veq.s32 v11, $0x5;
	[tilespmem:s13+$0x1480] =	vst v11;
	v54 =	vsel vm10, $0x3F800000, v2;
	v12 =	vmul.f32 v53, v52  }
0x87: {  	vm15 =	veq.s32 v11, $0x4;
	v56 =	vsel vm11, $0x3F800000, v2;
	v55 =	vadd.f32 v54, v40;
	[tilespmem:s13+$0x1000] =	vst v52  }
0x88: {  	vm14 =	veq.s32 v11, $0x6;
	v57 =	vsel vm15, $0x3F800000, v2;
	v16 =	vadd.f32 v56, v41;
	[tilespmem:s13+$0x1080] =	vst v12  }
0x89: {  	v58 =	vsel vm13, $0x3F800000, v2;
	v59 =	vadd.f32 v57, v61;
	v7 =	vadd.f32 v55, v7;
	[tilespmem:$0x1800] =	vst v10  }
0x8a: {  	v60 =	vadd.f32 v58, v49;
	v61 =	vsel vm14, $0x3F800000, v2;
	v8 =	vadd.f32 v16, v8;
	[tilespmem:$0x1810] =	vst v9  }
0x8b: {  	v62 =	vsel vm12, $0x3F800000, v2;
	v6 =	vadd.f32 v59, v6;
	v12 =	vadd.f32 v61, v63;
	[tilespmem:$0x1820] =	vst v7  }
0x8c: {  	v4 =	vadd.f32 v60, v4;
	v63 =	vadd.f32 v62, v50;
	[tilespmem:$0x1830] =	vst v8  }
0x8d: {  	[tilespmem:$0x1840] =	vst v6;
	v5 =	vadd.f32 v12, v5  }
0x8e: {  	[tilespmem:$0x1850] =	vst v4;
	v3 =	vadd.f32 v63, v3  }
0x8f: {  	[tilespmem:$0x1860] =	vst v5  }
0x90: {  	[tilespmem:$0x1870] =	vst v3  }
0x91: {  	[hbm4b:s4+s2] =	stream.linear.scatter [tilespmem:s9], [sflag:$0x1], $0x400, $0x38;
	[tilespmem:$0x1880] =	vst v63  }
0x92: {  	_ =	swait.ge [sflag:s8], $0x400  }
0x93: {  	[sflag:s8] =	ssyncset.done $0x0  }
0x94: {  	[sflag:s8] =	ssyncadd.s32 $0xFFFFFC00  }
0x95: {  	[hbm4b:s5+s2] =	stream.linear.scatter [tilespmem:s10], [sflag:$0x1], $0x400, $0x38;
	[tilespmem:$0x1880] =	vst v63  }
0x96: {  	s12 =	sadd.s32 $0x1, s12;
	_ =	swait.ge [sflag:s8], $0x400  }
0x97: {  	p0 =	sne.s32 s12, s7;
	[sflag:s8] =	ssyncset.done $0x0  }
.Ltmp1:
0x98: {  	[sflag:s8] =	ssyncadd.s32 $0xFFFFFC00;
	(pc) =	sbr.rel @p0 .LBB2_1-.Ltmp1, $4  }
0x99: {  	[hbm4b:s6+s2] =	stream.linear.scatter [tilespmem:s11], [sflag:$0x1], $0x80, $0x38;
	[tilespmem:$0x1880] =	vst v63  }
0x9a: {  	_ =	swait.ge [sflag:s8], $0x80  }
0x9b: {  	[sflag:s8] =	ssyncset.done $0x0  }
0x9c: {  	[sflag:s8] =	ssyncadd.s32 $0xFFFFFF80  }
0x9d: {  	_ =	sfence.sel $0x180000  }
0x9e: {  	[bflag:$0x0] =	sbarrier.arrive $0xFFFF  }
0x9f: {  	p0 =	sne.s32 s1, $0x0;
	_ =	strace $0x90000047  }
0xa0: {  	s0 =	sadd.s32 @!p0 $0x100000, s0;
	[bflag:$0x2] =	sbarrier.arrive $0xFFFF  }
0xa1: {  	[sflag:s0] =	ssyncadd.tile.s32 @!p0 $0x1;
	_ =	shalt  }
.Lfunc_end2:
_tile_overlayer_lowered:
.L_overlay_start_2:
0xa2: {  	(tag) =	ssettag $0x2  }
0xa3: {  	s0 =	rddreg [dreg:$0x0];
	s2 =	stileid.u32  }
0xa4: {  	s1 =	rddreg [dreg:$0x1];
	p0 =	sne.s32 s2, $0x0  }
0xa5: {  	s3 =	rddreg [dreg:$0x2];
	[bflag:$0x3] =	sbarrier.arrive $0xFFFF;
	s2 =	simm.s32 @!p0 $0x1C01  }
0xa6: {  	[timem:s3], [sflag:s2] =	dma.local @!p0 [hbm:s0], s1  }
0xa7: {  	s0 =	simm.s32 @!p0 $0x1  }
0xa8: {  	_ =	swait.ge @!p0 [sflag:s0], s1  }
0xa9: {  	s1 =	ssub.s32 @!p0 $0x0, s1;
	[sflag:s0] =	ssyncset.done @!p0 $0x0  }
0xaa: {  	[sflag:s0] =	ssyncadd.s32 @!p0 s1  }
0xab: {  	[bflag:$0x3] =	sbarrier.arrive $0xFFFF  }
0xac: {  	_ =	shalt  }

// kernel: kernel.7.cloned.1.call-start
scs
__scs_entry_jumppad:
0x0: {  	(pc) =	sbr.rel $0x88, $3  }
0x1: {  	(tag) =	ssettag $0x0;
	lr =	simm.s32 $0x1  }
0x2: {  	[smem:$0x3F9F] =	sst lr;
	_ =	strace $0xD0000000  }
0x3: {  	_ = 	snop  }
0x4: {  	_ = 	snop  }
0x5: {  	_ = 	snop  }
0x6: {  	_ = 	snop  }
0x7: {  	_ = 	snop  }
__scs_overlays_trampoline_lowered:
0x8: {  	[smem:$0x3FAE] =	sst s0  }
0x9: {  	[smem:$0x3FAF] =	sst s1  }
0xa: {  	[smem:$0x3FB0] =	sst s2  }
0xb: {  	[smem:$0x3FB1] =	sst s3  }
0xc: {  	[smem:$0x3FB2] =	sst s4  }
0xd: {  	[smem:$0x3FB3] =	sst s5  }
0xe: {  	[smem:$0x3FB4] =	sst s6  }
0xf: {  	[smem:$0x3FB5] =	sst s7  }
0x10: {  	[smem:$0x3FB6] =	sst s8  }
0x11: {  	[smem:$0x3FB7] =	sst s9;
	s0 =	simm.s32 @!p0 $0x0  }
0x12: {  	s1 =	sld [smem:$0x3F9D];
	s0 =	simm.s32 @p0 $0x1  }
0x13: {  	[smem:$0x3FB8] =	sst s0;
	s0 =	simm.s32 @!p1 $0x0  }
0x14: {  	s2 =	sld [smem:$0x3F9C];
	s0 =	simm.s32 @p1 $0x1  }
0x15: {  	[smem:$0x3FB9] =	sst s0;
	s0 =	simm.s32 @!p2 $0x0  }
0x16: {  	s3 =	sld [smem:$0x3FDB];
	s0 =	simm.s32 @p2 $0x1  }
0x17: {  	s4 =	simm.s32 $0x1BF5;
	[smem:$0x3FBB] =	sst s0  }
0x18: {  	s0 =	sld [smem:$0x3F9E];
	_ =	swait.ge [sflag:s4], $0x0  }
0x19: {  	s7 =	sld [smem:$0x3F9F]  }
0x1a: {  	s8 =	sadd.s32 $0xFFFFE003, lr  }
0x1b: {  	s9 =	sadd.s32 $0xFFFFFEF7, lr;
	s5 =	simm.s32 $0xFFFFFFFF;
	p2 =	slt.u32 s8, $0xFFFFF086  }
0x1c: {  	p1 =	slt.u32 s9, $0xF7A;
	s5 =	simm.s32 @!p2 $0x0  }
0x1d: {  	s5 =	simm.s32 @p1 $0x1;
	p0 =	seq.s32 s7, s2  }
0x1e: {  	s7 =	smul.u32 @!p0 $0xF7A, s2;
	p2 =	seq.s32 @!p0 s5, $0x0  }
0x1f: {  	s9 =	smul.u32 $0xF7A, s1;
	s8 =	simm.s32 @!p0 $0x1BF5;
	p2 =	por !p2, p0  }
0x20: {  	[sflag:s8] =	ssyncset.s32 @!p0 $0xFFFFF086;
	s6 =	sadd.s32 @!p0 s3, s7;
	s7 =	simm.s32 @!p0 $0x108  }
0x21: {  	s3 =	sadd.s32 s3, s9;
	s6 =	sadd.s32 @!p0 $0x88, s6;
	s7 =	simm.s32 @p2 $0x1082  }
0x22: {  	[simem:s7], [sflag:s8] =	dma.local @!p0 [hbm:s6], $0xF7A  }
0x23: {  	s9 =	sor.u32 $0xD0000000, s2;
	s6 =	simm.s32 $0x108;
	_ =	swait.ge @!p0 [sflag:s8], $0x0  }
0x24: {  	s3 =	sadd.s32 $0x88, s3;
	s6 =	simm.s32 @!p1 $0x1082;
	[sflag:s4] =	ssyncset.s32 $0xFFFFF086  }
0x25: {  	[simem:s6], [sflag:s4] =	dma.local [hbm:s3], $0xF7A  }
0x26: {  	[smem:$0x3F9F] =	sst s1;
	(tag) =	ssettag s2;
	_ =	strace s9  }
0x27: {  	s1 =	sld [smem:$0x3FAF]  }
0x28: {  	s2 =	sld [smem:$0x3FB0]  }
0x29: {  	s4 =	sld [smem:$0x3FB2]  }
0x2a: {  	p0 =	seq.s32 s5, $0x0;
	s5 =	sld [smem:$0x3FB3]  }
0x2b: {  	s6 =	sld [smem:$0x3FB4]  }
0x2c: {  	s7 =	sld [smem:$0x3FB5]  }
0x2d: {  	s3 =	simm.s32 $0x108;
	s8 =	sld [smem:$0x3FB6]  }
0x2e: {  	s3 =	simm.s32 @!p0 $0x1082;
	s9 =	sld [smem:$0x3FB7]  }
0x2f: {  	lr =	sadd.s32 s0, s3;
	s0 =	sld [smem:$0x3FAE]  }
0x30: {  	s3 =	sld [smem:$0x3FB1]  }
0x31: {  	[smem:$0x3FBA] =	sst s10  }
0x32: {  	s10 =	sld [smem:$0x3FB8];
	_ =	sdelay $0x3  }
0x33: {  	p0 =	seq.s32 s10, $0x1;
	s10 =	sld [smem:$0x3FBA];
	_ =	sdelay $0x3  }
0x34: {  	[smem:$0x3FBA] =	sst s10  }
0x35: {  	s10 =	sld [smem:$0x3FB9];
	_ =	sdelay $0x3  }
0x36: {  	p1 =	seq.s32 s10, $0x1;
	s10 =	sld [smem:$0x3FBA];
	_ =	sdelay $0x3  }
0x37: {  	[smem:$0x3FBA] =	sst s10  }
0x38: {  	s10 =	sld [smem:$0x3FBB]  }
0x39: {  	_ = 	snop;
	(pc) =	sbr.ind lr, $3  }
0x3a: {  	_ = 	snop  }
0x3b: {  	_ = 	snop  }
0x3c: {  	p2 =	seq.s32 s10, $0x1;
	s10 =	sld [smem:$0x3FBA]  }
0x3d: {  	_ =	shalt  }
0x3e: {  	_ =	shalt  }
0x3f: {  	_ =	shalt  }
0x40: {  	_ =	shalt  }
0x41: {  	_ =	shalt  }
0x42: {  	_ =	shalt  }
0x43: {  	_ =	shalt  }
0x44: {  	_ =	shalt  }
0x45: {  	_ =	shalt  }
0x46: {  	_ =	shalt  }
0x47: {  	_ =	shalt  }
0x48: {  	_ =	shalt  }
0x49: {  	_ =	shalt  }
0x4a: {  	_ =	shalt  }
0x4b: {  	_ =	shalt  }
0x4c: {  	_ =	shalt  }
0x4d: {  	_ =	shalt  }
0x4e: {  	_ =	shalt  }
0x4f: {  	_ =	shalt  }
0x50: {  	_ =	shalt  }
0x51: {  	_ =	shalt  }
0x52: {  	_ =	shalt  }
0x53: {  	_ =	shalt  }
0x54: {  	_ =	shalt  }
0x55: {  	_ =	shalt  }
0x56: {  	_ =	shalt  }
0x57: {  	_ =	shalt  }
0x58: {  	_ =	shalt  }
0x59: {  	_ =	shalt  }
0x5a: {  	_ =	shalt  }
0x5b: {  	_ =	shalt  }
0x5c: {  	_ =	shalt  }
0x5d: {  	_ =	shalt  }
0x5e: {  	_ =	shalt  }
0x5f: {  	_ =	shalt  }
0x60: {  	_ =	shalt  }
0x61: {  	_ =	shalt  }
0x62: {  	_ =	shalt  }
0x63: {  	_ =	shalt  }
0x64: {  	_ =	shalt  }
0x65: {  	_ =	shalt  }
0x66: {  	_ =	shalt  }
0x67: {  	_ =	shalt  }
0x68: {  	_ =	shalt  }
0x69: {  	_ =	shalt  }
0x6a: {  	_ =	shalt  }
0x6b: {  	_ =	shalt  }
0x6c: {  	_ =	shalt  }
0x6d: {  	_ =	shalt  }
0x6e: {  	_ =	shalt  }
0x6f: {  	_ =	shalt  }
0x70: {  	_ =	shalt  }
0x71: {  	_ =	shalt  }
0x72: {  	_ =	shalt  }
0x73: {  	_ =	shalt  }
0x74: {  	_ =	shalt  }
0x75: {  	_ =	shalt  }
0x76: {  	_ =	shalt  }
0x77: {  	_ =	shalt  }
0x78: {  	_ =	shalt  }
0x79: {  	_ =	shalt  }
0x7a: {  	_ =	shalt  }
0x7b: {  	_ =	shalt  }
0x7c: {  	_ =	shalt  }
0x7d: {  	_ =	shalt  }
0x7e: {  	_ =	shalt  }
0x7f: {  	_ =	shalt  }
0x80: {  	_ =	shalt  }
0x81: {  	_ =	shalt  }
0x82: {  	_ =	shalt  }
0x83: {  	_ =	shalt  }
0x84: {  	_ =	shalt  }
0x85: {  	_ =	shalt  }
0x86: {  	_ =	shalt  }
0x87: {  	_ =	shalt  }
.Lfunc_end0:
.L_simem_size_0:
called_computation_lowered:
.L_overlay_start_0:
0x88: {  	s2 =	sld [smem:$0x3FD9]  }
0x89: {  	s3 =	sld [smem:$0x3FFE];
	_ =	sdelay $0x1  }
0x8a: {  	s1 =	srdreg.scid  }
0x8b: {  	s0 =	sand.u32 $0x1, s1  }
0x8c: {  	s15 =	sshll.u32 s0, $0xA;
	s2 =	sadd.s32 s3, s2  }
0x8d: {  	s2 =	sadd.s32 s2, s15  }
0x8e: {  	[smem:$0x3FC6] =	sst s2  }
0x8f: {  	_ = 	snop  }
0x90: {  	s2 =	sld [smem:$0x3FD0];
	_ =	sdelay $0x2  }
0x91: {  	s16 =	simm.s32 $0xB;
	s4 =	simm.s32 $0x10  }
0x92: {  	[smem:s4], [sflag:s16] =	dma.local [hbm:s2], $0x1  }
0x93: {  	_ =	swait.eq [sflag:s16], $0x1  }
0x94: {  	[sflag:s16] =	ssyncset.done $0x0  }
0x95: {  	[sflag:s16] =	ssyncadd.s32 $0xFFFFFFFF  }
0x96: {  	s17 =	sld [smem:$0x11];
	(tm) =	ssettm $0x1  }
0x97: {  	s18 =	sld [smem:$0x3FFB];
	_ =	sdelay $0x3  }
0x98: {  	_ =	strace s18  }
0x99: {  	s2 =	sld [smem:$0x3FFC];
	_ =	sdelay $0x3  }
0x9a: {  	_ =	strace s2  }
0x9b: {  	s2 =	sld [smem:$0x3FFD];
	_ =	sdelay $0x3  }
0x9c: {  	_ =	strace s2  }
0x9d: {  	_ =	strace $0x8FFFFFFF  }
0x9e: {  	s19 =	sld [smem:$0x3FDB];
	_ =	sdelay $0x1  }
0x9f: {  	s20 =	simm.s32 $_scs_section_size  }
0xa0: {  	s5 =	simm.s32 $_size__tile_overlayer_lowered;
	s6 =	simm.s32 $_tile_overlayer_lowered  }
0xa1: {  	s7 =	simm.s32 $0x1BFF;
	s21 =	sshll.u32 s6, $0x1;
	s4 =	sadd.s32 s20, s19  }
0xa2: {  	s22 =	simm.s32 $0x0;
	s5 =	sshll.u32 s5, $0x1;
	s6 =	sadd.s32 s21, s4  }
0xa3: {  	[timem:s22], [sflag:s7] =	dma.local [hbm:s6], s5  }
0xa4: {  	_ =	swait.ge [sflag:s7], s5  }
0xa5: {  	s5 =	ssub.s32 $0x0, s5;
	[sflag:s7] =	ssyncset.done $0x0  }
0xa6: {  	[sflag:s7] =	ssyncadd.s32 s5;
	_ =	sdelay $0x1  }
0xa7: {  	s23 =	simm.s32 $0x1B8B  }
0xa8: {  	_ =	swait.ge [sflag:s23], $0x1  }
0xa9: {  	[sflag:s23] =	ssyncset.done $0x0  }
0xaa: {  	[sflag:s23] =	ssyncadd.s32 $0xFFFFFFFF  }
0xab: {  	s5 =	sld [smem:$0x0]  }
0xac: {  	s6 =	sand.u32 $0xFFFFFFFE, s1  }
0xad: {  	p0 =	sne.s32 s1, s6  }
0xae: {  	s6 =	sshll.u32 @p0 s6, $0xE  }
0xaf: {  	s6 =	sadd.s32 @p0 $0x11B8D, s6;
	s7 =	sshll.u32 @p0 s5, $0x11  }
0xb0: {  	s6 =	sor.u32 @p0 s7, s6  }
0xb1: {  	[sflag:s6] =	ssyncadd.remote.s32 @p0 $0x1;
	_ =	sdelay $0x1  }
0xb2: {  	s6 =	simm.s32 @p0 $0x1B8D  }
0xb3: {  	_ =	swait.eq @p0 [sflag:s6], $0x1  }
0xb4: {  	[sflag:s6] =	ssyncadd.s32 @p0 $0xFFFFFFFF  }
0xb5: {  	s7 =	sshll.u32 @!p0 s1, $0xE  }
0xb6: {  	s7 =	sor.u32 @!p0 $0x4000, s7;
	s6 =	simm.s32 @!p0 $0x1B8D  }
0xb7: {  	s5 =	sshll.u32 @!p0 s5, $0x11;
	s7 =	sadd.s32 @!p0 $0x11B8D, s7;
	_ =	swait.eq @!p0 [sflag:s6], $0x1  }
0xb8: {  	s5 =	sor.u32 @!p0 s5, s7;
	[sflag:s6] =	ssyncadd.s32 @!p0 $0xFFFFFFFF  }
0xb9: {  	s25 =	simm.s32 $0x1B8E;
	s24 =	sld [smem:$0x3FFE];
	[sflag:s5] =	ssyncadd.remote.s32 @!p0 $0x1  }
0xba: {  	s26 =	simm.s32 $execute0_lowered;
	[smem:$0x3FD2] =	sst s25  }
0xbb: {  	s6 =	sshll.u32 s26, $0x1;
	_ =	strace $0x80000049;
	[dreg:$0x1] =	wrdreg $0xFFFFFFFF  }
0xbc: {  	s28 =	simm.s32 $_size_execute0_lowered;
	s4 =	sadd.s32 s4, s6;
	[dreg:$0x0] =	wrdreg $0x0  }
0xbd: {  	s6 =	sshll.u32 s28, $0x1;
	[dreg:$0x2] =	wrdreg s4  }
0xbe: {  	[dreg:$0x3] =	wrdreg s6  }
0xbf: {  	[dreg:$0x4] =	wrdreg $0xC0  }
0xc0: {  	_ =	task [dreg:s22], $0x5FFFF  }
0xc1: {  	[dreg:$0x1] =	wrdreg $0xFFFFFFFF  }
0xc2: {  	[dreg:$0x0] =	wrdreg $0x60  }
0xc3: {  	[dreg:$0x2] =	wrdreg s24  }
0xc4: {  	[dreg:$0x3] =	wrdreg s17  }
0xc5: {  	[dreg:$0x4] =	wrdreg $0x9  }
0xc6: {  	_ =	task.clear_ibuf [dreg:s22], $0x5FFFF;
	_ =	strace $0x90000049  }
0xc7: {  	s29 =	simm.s32 $0x9;
	_ =	strace $0x8000004B  }
0xc8: {  	_ =	swait.ge [sflag:s29], $0x1  }
0xc9: {  	[sflag:s29] =	ssyncadd.s32 $0xFFFFFFFF  }
0xca: {  	_ =	strace $0x9000004B  }
0xcb: {  	_ =	sfence  }
0xcc: {  	s30 =	sld [smem:$0x0];
	_ =	sdelay $0x2  }
0xcd: {  	s31 =	sshll.u32 s1, $0xD;
	s1 =	sshrl.u32 s1, $0x2  }
0xce: {  	s4 =	sand.u32 $0x4000, s31;
	s1 =	sadd.s32 s1, s30  }
0xcf: {  	s0 =	sor.u32 s4, s0;
	s1 =	sshll.u32 s1, $0x11  }
0xd0: {  	s0 =	sor.u32 s1, s0  }
0xd1: {  	s0 =	sadd.s32 $0x8F2B, s0  }
0xd2: {  	[sflag:s0] =	ssyncadd.remote.s32 $0x1  }
0xd3: {  	_ =	sfence.sel $0xFFFF  }
0xd4: {  	[dreg:$0x0] =	wrdreg $0xFFFFFFFF;
	(pc) =	sbr.abs _section_cstart, $3  }
0xd5: {  	[dreg:$0x1] =	wrdreg $0xFFFFFFFF  }
0xd6: {  	_ =	task.clear_ibuf [dreg:s22], $0x2FFFF;
	_ =	strace $0x9FFFFFFF  }
0xd7: {  	(tm) =	ssettm $0x7FFFFFFF  }
tec
execute0_lowered:
.L_overlay_start_1:
0x0: {  	(tag) =	ssettag $0x1  }
0x1: {  	s3 =	rddreg [dreg:$0x0]  }
0x2: {  	s4 =	rddreg [dreg:$0x1]  }
0x3: {  	s0 =	rddreg [dreg:$0x2]  }
0x4: {  	s5 =	srdreg.scid;
	s1 =	stileid.u32;
	s2 =	simm.s32 $0x0  }
0x5: {  	s11 =	simm.s32 $0x1800;
	s5 =	sand.u32 $0x1, s5;
	s6 =	sshll.u32 s1, $0x1  }
0x6: {  	s12 =	simm.s32 $0x0;
	[smem:$0x7FF] =	sst s2;
	s6 =	sor.u32 s5, s6  }
0x7: {  	_ =	strace $0x8000004A;
	s5 =	ssub.s32 $0x2, s5;
	s7 =	sshll.u32 s6, $0x9  }
0x8: {  	s8 =	sshll.u32 s6, $0x7;
	s6 =	sshll.u32 s6, $0x4;
	s10 =	sshrl.u32 s5, $0x1  }
0x9: {  	s7 =	sadd.s32 s7, s3;
	s9 =	sadd.s32 s8, s3;
	s6 =	sadd.s32 s6, s3  }
0xa: {  	s10 =	ssub.s32 s5, s10;
	s4 =	sadd.s32 s4, s8;
	s8 =	simm.s32 $0x1  }
0xb: {  	s3 =	sadd.s32 $0x8600, s7;
	s5 =	sadd.s32 $0xC600, s9;
	s6 =	sadd.s32 $0xD600, s6  }
0xc: {  	v0 =	vimm.s32 $0x8;
	v1 =	vimm.f32 $1.000000000e+00;
	v2 =	vimm.f32 $0.0e+00;
	s7 =	smax.u32 s10, $0x1;
	s9 =	simm.s32 $0x1000;
	s10 =	simm.s32 $0x1400  }
.LBB2_1:
0xd: {  	[tilespmem:s2], [sflag:$0x1] =	stream.linear.gather [hbm4b:s3+s2], $0x1000, $0x38;
	[tilespmem:$0x1880] =	vst v63  }
0xe: {  	s14 =	simm.s32 $0x0;
	_ =	swait.ge [sflag:s8], $0x1000  }
0xf: {  	s13 =	sand.u32 $0x70, s2;
	s14 =	sand.u32 $0x3FFFFC00, s14;
	[sflag:s8] =	ssyncset.done $0x0  }
0x10: {  	s14 =	sor.u32 s13, s14;
	[sflag:s8] =	ssyncadd.s32 $0xFFFFF000  }
0x11: {  	v13 =	vld [tilespmem:s14+$0x0]  }
0x12: {  	v11 =	vld [tilespmem:s14+$0x80]  }
0x13: {  	v14 =	vld [tilespmem:s14+$0x100]  }
0x14: {  	v12 =	vld [tilespmem:s14+$0x180]  }
0x15: {  	v17 =	vld [tilespmem:s14+$0x200]  }
0x16: {  	v15 =	vld [tilespmem:s14+$0x280]  }
0x17: {  	v16 =	vld [tilespmem:s14+$0x300];
	v3 =	vmax.f32 v13, v11  }
0x18: {  	v18 =	vld [tilespmem:s14+$0x380];
	v3 =	vmax.f32 v3, v14  }
0x19: {  	v3 =	vmax.f32 v3, v12  }
0x1a: {  	v3 =	vmax.f32 v3, v17  }
0x1b: {  	v3 =	vmax.f32 v3, v15  }
0x1c: {  	v3 =	vmax.f32 v3, v16  }
0x1d: {  	v19 =	vmax.f32 v3, v18  }
0x1e: {  	v10 =	vimm.f32 $0.0e+00;
	v3 =	vsub.f32 v13, v19  }
0x1f: {  	v9 =	vimm.f32 $0.0e+00;
	v4 =	vsub.f32 v11, v19;
	v6 =	vsub.f32 v14, v19  }
0x20: {  	vm0 =	veq.f32 v18, v19;
	v7 =	vsub.f32 v12, v19;
	v8 =	vsub.f32 v17, v19  }
0x21: {  	vm1 =	veq.f32 v16, v19;
	vm3 =	veq.f32 v14, v19;
	vm2 =	veq.f32 v11, v19  }
0x22: {  	v22 =	vsub.f32 v18, v19;
	v3 =	vmul.f32 $1.442695020e+00, v3;
	v4 =	vmul.f32 $1.442695020e+00, v4  }
0x23: {  	v5 =	vsel vm0, $0x7, v0;
	v6 =	vmul.f32 $1.442695020e+00, v6;
	v7 =	vmul.f32 $1.442695020e+00, v7  }
0x24: {  	vm0 =	veq.f32 v15, v19;
	v8 =	vmul.f32 $1.442695020e+00, v8;
	(erf) = vpow2.f32 v3  }
0x25: {  	v3 =	vsel vm1, $0x6, v5;
	vm1 =	veq.f32 v17, v19;
	v5 =	vsub.f32 v16, v19  }
0x26: {  	(erf) = vpow2.f32 v4;
	v3 =	vsel vm0, $0x5, v3;
	vm0 =	veq.f32 v12, v19  }
0x27: {  	v4 =	vsub.f32 v15, v19;
	v3 =	vsel vm1, $0x4, v3;
	(erf) = vpow2.f32 v6  }
0x28: {  	v21 =	vmul.f32 $1.442695020e+00, v5;
	v5 =	vimm.f32 $0.0e+00;
	v6 =	vimm.f32 $0.0e+00  }
0x29: {  	v3 =	vsel vm0, $0x3, v3;
	(erf) = vpow2.f32 v7;
	vm0 =	vne.f32 v13, v19  }
0x2a: {  	v23 =	vmul.f32 $1.442695020e+00, v4;
	v4 =	vimm.f32 $0.0e+00;
	v3 =	vsel vm3, $0x2, v3  }
0x2b: {  	v7 =	vimm.f32 $0.0e+00;
	(erf) = vpow2.f32 v8;
	v3 =	vsel vm2, $0x1, v3  }
0x2c: {  	s15 =	simm.s32 $0x1;
	s16 =	simm.s32 $0x0;
	s14 =	simm.s32 $0x0;
	v8 =	vimm.f32 $0.0e+00;
	v20 =	vnsel vm0, $0x0, v3;
	v3 =	vimm.f32 $0.0e+00  }
.LBB2_2:
0x2d: {  	p0 =	sne.s32 s15, $0x1F  }
0x2e: {  	v24 =	vnsel vm0, $0xFF61B1E6, v13;
	v22 =	vmul.f32 $1.442695020e+00, v22;
	s16 =	sadd.s32 $0x10, s16;
	s18 =	smov.u32 s15;
	s15 =	sadd.s32 $0x1, s15  }
0x2f: {  	v25 =	vpop (erf);
	(erf) = vpow2.f32 v23  }
0x30: {  	vm3 =	vne.s32 v20, $0x4;
	vm1 =	vne.s32 v20, $0x2;
	v23 =	vpop (erf);
	(erf) = vpow2.f32 v22  }
0x31: {  	vm4 =	vne.s32 v20, $0x3;
	v22 =	vadd.f32 v23, v25;
	(erf) = vpow2.f32 v21  }
0x32: {  	vm2 =	vmand vm0, vm2;
	vm5 =	veq.s32 v20, $0x4;
	vm6 =	veq.s32 v20, $0x6;
	v21 =	vpop (erf)  }
0x33: {  	vm7 =	veq.s32 v20, $0x2;
	s17 =	sshll.u32 s18, $0x7;
	v22 =	vadd.f32 v22, v21;
	v21 =	vsel vm5, $0x3F800000, v2  }
0x34: {  	vm8 =	veq.s32 v20, $0x3;
	s19 =	sand.u32 $0x70, s16;
	s17 =	sand.u32 $0x3FFFFC00, s17;
	v23 =	vsel vm7, $0xFF61B1E6, v14;
	v25 =	vsel vm6, $0x3F800000, v2;
	v26 =	vpop (erf)  }
0x35: {  	v27 =	vsel vm8, $0xFF61B1E6, v12;
	s17 =	sor.u32 s19, s17;
	v22 =	vadd.f32 v22, v26;
	v26 =	vsel vm2, $0x3F800000, v2  }
0x36: {  	v28 =	vsel vm2, $0xFF61B1E6, v11;
	v29 =	vsel vm5, $0xFF61B1E6, v17;
	vm5 =	veq.s32 v20, $0x5;
	v30 =	vpop (erf)  }
0x37: {  	v24 =	vmax.f32 v24, v28;
	v28 =	vsel vm5, $0xFF61B1E6, v15;
	v22 =	vadd.f32 v22, v30  }
0x38: {  	v23 =	vmax.f32 v24, v23;
	v24 =	vsel vm6, $0xFF61B1E6, v16;
	vm6 =	veq.s32 v20, $0x7;
	v30 =	vpop (erf)  }
0x39: {  	v23 =	vmax.f32 v23, v27;
	v27 =	vsel vm6, $0xFF61B1E6, v18;
	v22 =	vadd.f32 v22, v30;
	v30 =	vpop (erf)  }
0x3a: {  	vm10 =	vne.s32 v20, $0x7;
	vm11 =	vne.s32 v20, $0x6;
	v23 =	vmax.f32 v23, v29;
	v29 =	vpop (erf)  }
0x3b: {  	vm9 =	vne.s32 v20, $0x5;
	v23 =	vmax.f32 v23, v28;
	v22 =	vadd.f32 v22, v29  }
0x3c: {  	v28 =	vsel vm8, $0x3F800000, v2;
	v23 =	vmax.f32 v23, v24;
	v24 =	vsel vm7, $0x3F800000, v2  }
0x3d: {  	v23 =	vmax.f32 v23, v27;
	v22 =	vadd.f32 v22, v30  }
0x3e: {  	vm7 =	veq.f32 v18, v23;
	vm8 =	veq.f32 v17, v23;
	v17 =	vsub.f32 v23, v19  }
0x3f: {  	s20 =	sshll.u32 s14, $0x5;
	s14 =	smov.u32 s18;
	vm12 =	veq.f32 v14, v23;
	vm7 =	vmand vm10, vm7;
	vm10 =	veq.f32 v16, v23  }
0x40: {  	s18 =	sand.u32 $0xFFFFFF00, s20;
	v14 =	vsel vm7, $0x7, v0;
	vm7 =	veq.f32 v13, v23;
	v13 =	vmul.f32 $1.442695020e+00, v17  }
0x41: {  	s18 =	sor.u32 s13, s18;
	s13 =	smov.u32 s19;
	vm10 =	vmand vm11, vm10;
	vm11 =	veq.f32 v15, v23;
	(erf) = vrcp.f32 v22  }
0x42: {  	v14 =	vsel vm10, $0x6, v14;
	vm10 =	vne.f32 v11, v23;
	[tilespmem:s18+$0x1400] =	vst v20;
	(erf) = vpow2.f32 v13  }
0x43: {  	vm3 =	vmand vm3, vm8;
	vm8 =	veq.f32 v12, v23;
	vm9 =	vmand vm9, vm11  }
0x44: {  	vm4 =	vmand vm4, vm8;
	vm7 =	vmand vm0, vm7;
	v11 =	vsel vm9, $0x5, v14  }
0x45: {  	vm1 =	vmand vm1, vm12;
	v12 =	vsel vm0, $0x0, v1;
	v11 =	vsel vm3, $0x4, v11  }
0x46: {  	vm0 =	vmor vm2, vm10;
	v11 =	vsel vm4, $0x3, v11;
	v13 =	vsel vm7, $0x3F800000, v2  }
0x47: {  	v15 =	vsel vm6, $0x3F800000, v2;
	v14 =	vsel vm5, $0x3F800000, v2;
	v11 =	vsel vm1, $0x2, v11  }
0x48: {  	v11 =	vnsel vm0, $0x1, v11;
	vm0 =	vmor vm7, vm0;
	v17 =	vadd.f32 v13, v12  }
0x49: {  	v11 =	vsel vm7, $0x0, v11;
	v13 =	vsel vm0, $0x0, v1  }
0x4a: {  	vm1 =	veq.s32 v11, $0x3;
	vm2 =	veq.s32 v11, $0x7;
	vm0 =	veq.s32 v11, $0x2;
	[tilespmem:s18+$0x1480] =	vst v11;
	v16 =	vpop (erf)  }
0x4b: {  	vm3 =	veq.s32 v11, $0x5;
	vm4 =	veq.s32 v11, $0x6;
	v10 =	vadd.f32 v17, v10;
	[tilespmem:s18+$0x1000] =	vst v16;
	v12 =	vpop (erf)  }
0x4c: {  	vm5 =	veq.s32 v11, $0x4;
	v11 =	vsel vm3, $0x3F800000, v2;
	v12 =	vmul.f32 v12, v16  }
0x4d: {  	v17 =	vsel vm4, $0x3F800000, v2;
	v11 =	vadd.f32 v11, v14;
	v16 =	vsel vm0, $0x3F800000, v2  }
0x4e: {  	v14 =	vsel vm2, $0x3F800000, v2;
	[tilespmem:s18+$0x1080] =	vst v12;
	v12 =	vadd.f32 v13, v26;
	v13 =	vadd.f32 v16, v24  }
0x4f: {  	v4 =	vadd.f32 v11, v4;
	v11 =	vadd.f32 v14, v15;
	v16 =	vsel vm5, $0x3F800000, v2  }
0x50: {  	v17 =	vadd.f32 v17, v25;
	v15 =	vsel vm1, $0x3F800000, v2;
	v14 =	vld [tilespmem:s17+$0x100];
	v7 =	vadd.f32 v13, v7  }
0x51: {  	v18 =	vadd.f32 v15, v28;
	v3 =	vadd.f32 v11, v3;
	v13 =	vld [tilespmem:s17+$0x0]  }
0x52: {  	v5 =	vadd.f32 v17, v5;
	v9 =	vadd.f32 v12, v9;
	v11 =	vld [tilespmem:s17+$0x80]  }
0x53: {  	v16 =	vadd.f32 v16, v21;
	v8 =	vadd.f32 v18, v8;
	v15 =	vld [tilespmem:s17+$0x280]  }
0x54: {  	v12 =	vld [tilespmem:s17+$0x180]  }
0x55: {  	v6 =	vadd.f32 v16, v6;
	v17 =	vld [tilespmem:s17+$0x200]  }
0x56: {  	v16 =	vld [tilespmem:s17+$0x300]  }
0x57: {  	v18 =	vld [tilespmem:s17+$0x380];
	v19 =	vmax.f32 v13, v11  }
0x58: {  	v19 =	vmax.f32 v19, v14  }
0x59: {  	v19 =	vmax.f32 v19, v12  }
0x5a: {  	v19 =	vmax.f32 v19, v17  }
0x5b: {  	v19 =	vmax.f32 v19, v15  }
0x5c: {  	v19 =	vmax.f32 v19, v16  }
0x5d: {  	v19 =	vmax.f32 v19, v18  }
0x5e: {  	vm0 =	veq.f32 v18, v19;
	v20 =	vsub.f32 v13, v19;
	v21 =	vsub.f32 v11, v19  }
0x5f: {  	v23 =	vsub.f32 v14, v19;
	v24 =	vsub.f32 v12, v19;
	v22 =	vsel vm0, $0x7, v0  }
0x60: {  	v25 =	vsub.f32 v17, v19;
	v20 =	vmul.f32 $1.442695020e+00, v20;
	v21 =	vmul.f32 $1.442695020e+00, v21  }
0x61: {  	vm0 =	veq.f32 v15, v19;
	v23 =	vmul.f32 $1.442695020e+00, v23;
	v24 =	vmul.f32 $1.442695020e+00, v24  }
0x62: {  	vm1 =	veq.f32 v16, v19;
	v25 =	vmul.f32 $1.442695020e+00, v25;
	(erf) = vpow2.f32 v20  }
0x63: {  	v20 =	vsel vm1, $0x6, v22;
	vm1 =	veq.f32 v17, v19;
	(erf) = vpow2.f32 v21  }
0x64: {  	vm3 =	veq.f32 v14, v19;
	v20 =	vsel vm0, $0x5, v20;
	vm0 =	veq.f32 v12, v19  }
.Ltmp0:
0x65: {  	vm2 =	veq.f32 v11, v19;
	v20 =	vsel vm1, $0x4, v20;
	(erf) = vpow2.f32 v23;
	(pc) =	sbr.rel @p0 .LBB2_2-.Ltmp0, $4  }
0x66: {  	v26 =	vsub.f32 v16, v19;
	v21 =	vsub.f32 v15, v19;
	v20 =	vsel vm0, $0x3, v20  }
0x67: {  	v22 =	vsub.f32 v18, v19;
	v20 =	vsel vm3, $0x2, v20;
	(erf) = vpow2.f32 v24  }
0x68: {  	vm0 =	vne.f32 v13, v19;
	v23 =	vmul.f32 $1.442695020e+00, v21;
	v20 =	vsel vm2, $0x1, v20  }
0x69: {  	v21 =	vmul.f32 $1.442695020e+00, v26;
	v20 =	vnsel vm0, $0x0, v20;
	(erf) = vpow2.f32 v25  }
0x6a: {  	v22 =	vmul.f32 $1.442695020e+00, v22  }
0x6b: {  	v24 =	vnsel vm0, $0xFF61B1E6, v13;
	vm3 =	vne.s32 v20, $0x4;
	vm1 =	vne.s32 v20, $0x2  }
0x6c: {  	vm4 =	vne.s32 v20, $0x3;
	vm2 =	vmand vm0, vm2;
	v25 =	vpop (erf);
	(erf) = vpow2.f32 v23  }
0x6d: {  	vm5 =	veq.s32 v20, $0x4;
	vm6 =	veq.s32 v20, $0x6;
	v58 =	vpop (erf);
	(erf) = vpow2.f32 v22  }
0x6e: {  	vm7 =	veq.s32 v20, $0x2;
	v59 =	vadd.f32 v58, v25;
	(erf) = vpow2.f32 v21  }
0x6f: {  	vm8 =	veq.s32 v20, $0x3;
	vm9 =	vne.s32 v20, $0x7;
	vm10 =	vne.s32 v20, $0x6;
	v60 =	vpop (erf)  }
0x70: {  	vm11 =	vne.s32 v20, $0x5;
	v47 =	vsel vm0, $0x0, v1;
	v21 =	vadd.f32 v59, v60  }
0x71: {  	v61 =	vsel vm5, $0x3F800000, v2;
	v62 =	vsel vm7, $0xFF61B1E6, v14;
	v28 =	vsel vm2, $0xFF61B1E6, v11;
	v26 =	vpop (erf)  }
0x72: {  	v63 =	vsel vm6, $0x3F800000, v2;
	v24 =	vmax.f32 v24, v28;
	v21 =	vadd.f32 v21, v26  }
0x73: {  	v27 =	vsel vm8, $0xFF61B1E6, v12;
	v29 =	vsel vm5, $0xFF61B1E6, v17;
	v23 =	vmax.f32 v24, v62;
	v30 =	vpop (erf)  }
0x74: {  	vm5 =	veq.s32 v20, $0x5;
	v23 =	vmax.f32 v23, v27;
	v21 =	vadd.f32 v21, v30  }
0x75: {  	v35 =	vsel vm6, $0xFF61B1E6, v16;
	v34 =	vsel vm5, $0xFF61B1E6, v15;
	v23 =	vmax.f32 v23, v29;
	v36 =	vpop (erf)  }
0x76: {  	vm6 =	veq.s32 v20, $0x7;
	v23 =	vmax.f32 v23, v34;
	v21 =	vadd.f32 v21, v36;
	v38 =	vpop (erf)  }
0x77: {  	v33 =	vsel vm2, $0x3F800000, v2;
	v37 =	vsel vm6, $0xFF61B1E6, v18;
	v23 =	vmax.f32 v23, v35;
	v39 =	vpop (erf)  }
0x78: {  	v40 =	vsel vm7, $0x3F800000, v2;
	v23 =	vmax.f32 v23, v37;
	v21 =	vadd.f32 v21, v39  }
0x79: {  	v41 =	vsel vm8, $0x3F800000, v2;
	vm12 =	veq.f32 v18, v23;
	v42 =	vsub.f32 v23, v19  }
0x7a: {  	vm8 =	veq.f32 v17, v23;
	vm13 =	veq.f32 v15, v23;
	v21 =	vadd.f32 v21, v38  }
0x7b: {  	vm14 =	vne.f32 v11, v23;
	vm15 =	veq.f32 v12, v23;
	v44 =	vmul.f32 $1.442695020e+00, v42  }
0x7c: {  	vm7 =	vmand vm9, vm12;
	vm9 =	veq.f32 v16, v23;
	(erf) = vrcp.f32 v21  }
0x7d: {  	vm12 =	veq.f32 v14, v23;
	vm3 =	vmand vm3, vm8;
	(erf) = vpow2.f32 v44  }
0x7e: {  	vm4 =	vmand vm4, vm15;
	v43 =	vsel vm7, $0x7, v0;
	vm9 =	vmand vm10, vm9  }
0x7f: {  	vm7 =	veq.f32 v13, v23;
	vm10 =	vmand vm11, vm13;
	v45 =	vsel vm9, $0x6, v43  }
0x80: {  	vm7 =	vmand vm0, vm7;
	vm9 =	vmor vm2, vm14;
	v46 =	vsel vm10, $0x5, v45  }
0x81: {  	vm1 =	vmand vm1, vm12;
	vm0 =	vmor vm7, vm9;
	v11 =	vsel vm3, $0x4, v46  }
0x82: {  	v48 =	vsel vm7, $0x3F800000, v2;
	v51 =	vsel vm0, $0x0, v1;
	v11 =	vsel vm4, $0x3, v11  }
0x83: {  	s14 =	sshll.u32 s14, $0x5;
	v12 =	vadd.f32 v48, v47;
	v13 =	vadd.f32 v51, v33;
	v11 =	vsel vm1, $0x2, v11  }
0x84: {  	s14 =	sand.u32 $0xFFFFFF00, s14;
	v49 =	vsel vm5, $0x3F800000, v2;
	v50 =	vsel vm6, $0x3F800000, v2;
	v11 =	vnsel vm9, $0x1, v11  }
0x85: {  	s13 =	sor.u32 s13, s14;
	v10 =	vadd.f32 v12, v10;
	v9 =	vadd.f32 v13, v9;
	v11 =	vsel vm7, $0x0, v11;
	v52 =	vpop (erf)  }
0x86: {  	[tilespmem:s13+$0x1400] =	vst v20;
	vm10 =	veq.s32 v11, $0x2;
	vm11 =	veq.s32 v11, $0x3;
	vm12 =	veq.s32 v11, $0x7;
	v53 =	vpop (erf)  }
0x87: {  	vm13 =	veq.s32 v11, $0x5;
	[tilespmem:s13+$0x1480] =	vst v11;
	v54 =	vsel vm10, $0x3F800000, v2;
	v12 =	vmul.f32 v53, v52  }
0x88: {  	vm15 =	veq.s32 v11, $0x4;
	v56 =	vsel vm11, $0x3F800000, v2;
	v55 =	vadd.f32 v54, v40;
	[tilespmem:s13+$0x1000] =	vst v52  }
0x89: {  	vm14 =	veq.s32 v11, $0x6;
	v57 =	vsel vm15, $0x3F800000, v2;
	v16 =	vadd.f32 v56, v41;
	[tilespmem:s13+$0x1080] =	vst v12  }
0x8a: {  	v58 =	vsel vm13, $0x3F800000, v2;
	v59 =	vadd.f32 v57, v61;
	v7 =	vadd.f32 v55, v7;
	[tilespmem:$0x1800] =	vst v10  }
0x8b: {  	v60 =	vadd.f32 v58, v49;
	v61 =	vsel vm14, $0x3F800000, v2;
	v8 =	vadd.f32 v16, v8;
	[tilespmem:$0x1810] =	vst v9  }
0x8c: {  	v62 =	vsel vm12, $0x3F800000, v2;
	v6 =	vadd.f32 v59, v6;
	v12 =	vadd.f32 v61, v63;
	[tilespmem:$0x1820] =	vst v7  }
0x8d: {  	v4 =	vadd.f32 v60, v4;
	v63 =	vadd.f32 v62, v50;
	[tilespmem:$0x1830] =	vst v8  }
0x8e: {  	[tilespmem:$0x1840] =	vst v6;
	v5 =	vadd.f32 v12, v5  }
0x8f: {  	[tilespmem:$0x1850] =	vst v4;
	v3 =	vadd.f32 v63, v3  }
0x90: {  	[tilespmem:$0x1860] =	vst v5  }
0x91: {  	[tilespmem:$0x1870] =	vst v3  }
0x92: {  	[hbm4b:s4+s2] =	stream.linear.scatter [tilespmem:s9], [sflag:$0x1], $0x400, $0x38;
	[tilespmem:$0x1880] =	vst v63  }
0x93: {  	_ =	swait.ge [sflag:s8], $0x400  }
0x94: {  	[sflag:s8] =	ssyncset.done $0x0  }
0x95: {  	[sflag:s8] =	ssyncadd.s32 $0xFFFFFC00  }
0x96: {  	[hbm4b:s5+s2] =	stream.linear.scatter [tilespmem:s10], [sflag:$0x1], $0x400, $0x38;
	[tilespmem:$0x1880] =	vst v63  }
0x97: {  	s12 =	sadd.s32 $0x1, s12;
	_ =	swait.ge [sflag:s8], $0x400  }
0x98: {  	p0 =	sne.s32 s12, s7;
	[sflag:s8] =	ssyncset.done $0x0  }
.Ltmp1:
0x99: {  	[sflag:s8] =	ssyncadd.s32 $0xFFFFFC00;
	(pc) =	sbr.rel @p0 .LBB2_1-.Ltmp1, $4  }
0x9a: {  	[hbm4b:s6+s2] =	stream.linear.scatter [tilespmem:s11], [sflag:$0x1], $0x80, $0x38;
	[tilespmem:$0x1880] =	vst v63  }
0x9b: {  	_ =	swait.ge [sflag:s8], $0x80  }
0x9c: {  	[sflag:s8] =	ssyncset.done $0x0  }
0x9d: {  	[sflag:s8] =	ssyncadd.s32 $0xFFFFFF80  }
0x9e: {  	_ =	sfence.sel $0x180000  }
0x9f: {  	[bflag:$0x0] =	sbarrier.arrive $0xFFFF  }
0xa0: {  	p0 =	sne.s32 s1, $0x0;
	_ =	strace $0x9000004A  }
0xa1: {  	s0 =	sadd.s32 @!p0 $0x100000, s0;
	[bflag:$0x2] =	sbarrier.arrive $0xFFFF  }
0xa2: {  	[sflag:s0] =	ssyncadd.tile.s32 @!p0 $0x1;
	_ =	shalt  }
.Lfunc_end2:
_tile_overlayer_lowered:
.L_overlay_start_2:
0xa3: {  	(tag) =	ssettag $0x2  }
0xa4: {  	s0 =	rddreg [dreg:$0x0];
	s2 =	stileid.u32  }
0xa5: {  	s1 =	rddreg [dreg:$0x1];
	p0 =	sne.s32 s2, $0x0  }
0xa6: {  	s3 =	rddreg [dreg:$0x2];
	[bflag:$0x3] =	sbarrier.arrive $0xFFFF;
	s2 =	simm.s32 @!p0 $0x1C01  }
0xa7: {  	[timem:s3], [sflag:s2] =	dma.local @!p0 [hbm:s0], s1  }
0xa8: {  	s0 =	simm.s32 @!p0 $0x1  }
0xa9: {  	_ =	swait.ge @!p0 [sflag:s0], s1  }
0xaa: {  	s1 =	ssub.s32 @!p0 $0x0, s1;
	[sflag:s0] =	ssyncset.done @!p0 $0x0  }
0xab: {  	[sflag:s0] =	ssyncadd.s32 @!p0 s1  }
0xac: {  	[bflag:$0x3] =	sbarrier.arrive $0xFFFF  }
0xad: {  	_ =	shalt  }

</sc_bundles>
